<compile_context>
chip_gen: v7x
topology: tpu7x:2x2x1
jax: 0.10.2.dev20260603
libtpu: 0.0.44.dev20260713+nightly
codegen_flags: <defaults>
</compile_context>

<pallas_src>
import functools
import math

import jax
import jax.numpy as jnp
from jax import lax
from jax.experimental import pallas as pl
from jax.experimental.pallas import tpu as pltpu
from jax.experimental.pallas import tpu_sc as plsc

D_MODEL = 64
SCALE = math.sqrt(D_MODEL)


@functools.lru_cache(maxsize=None)
def _make_pre_kernel(B: int, S: int):
    info = plsc.get_sparse_core_info()
    NC, NS = info.num_cores, info.num_subcores
    NW = NC * NS
    SB = (S + 7) // 8
    NBL = B // 128
    n_tiles = SB * NBL
    assert n_tiles % NW == 0
    tpw = n_tiles // NW
    mesh = plsc.VectorSubcoreMesh(core_axis_name="c", subcore_axis_name="s")

    @functools.partial(
        pl.kernel,
        mesh=mesh,
        out_type=jax.ShapeDtypeStruct((S, NBL, 128), jnp.int32),
        compiler_params=pltpu.CompilerParams(
            use_tc_tiling_on_sc=True, needs_layout_passes=False
        ),
        scratch_types=(
            [pltpu.VMEM((S, 1, 128), jnp.int32) for _ in range(2)]
            + [pltpu.SemaphoreType.DMA for _ in range(4)]
        ),
    )
    def k(xt_hbm, out_hbm, *scr):
        buf = scr[0:2]
        gsem = scr[2:4]
        ssem = scr[4:6]
        wid = lax.axis_index("s") * NC + lax.axis_index("c")
        spw = NBL // NW
        t0 = wid * spw

        def start_load(t, b):
            pltpu.async_copy(
                xt_hbm.at[:, pl.ds(t * 128, 128)], buf[b].at[:, 0, :], gsem[b]
            )

        def wait_load(t, b):
            pltpu.make_async_copy(
                xt_hbm.at[:, pl.ds(t * 128, 128)], buf[b].at[:, 0, :], gsem[b]
            ).wait()

        def start_store(t, b):
            pltpu.async_copy(buf[b], out_hbm.at[:, pl.ds(t, 1), :], ssem[b])

        def wait_store(t, b):
            pltpu.make_async_copy(
                buf[b], out_hbm.at[:, pl.ds(t, 1), :], ssem[b]
            ).wait()

        start_load(t0, 0)
        for ti in range(spw):
            b = ti % 2
            nb = (ti + 1) % 2
            if ti + 1 < spw:
                if ti + 1 >= 2:
                    wait_store(t0 + ti - 1, nb)
                start_load(t0 + ti + 1, nb)
            wait_load(t0 + ti, b)
            start_store(t0 + ti, b)
        wait_store(t0 + spw - 2, 0)
        wait_store(t0 + spw - 1, 1)

    return k


@functools.lru_cache(maxsize=None)
def _make_main_kernel(B: int, S: int, V: int, D: int):
    info = plsc.get_sparse_core_info()
    NC, NS, L = info.num_cores, info.num_subcores, info.num_lanes
    NW = NC * NS
    LB = 128
    bpw = B // (LB * NW)
    n_grp = S * bpw
    SB = (S + 7) // 8
    assert B % (LB * NW) == 0 and D % L == 0 and n_grp % 2 == 0
    mesh = plsc.VectorSubcoreMesh(core_axis_name="c", subcore_axis_name="s")

    @functools.partial(
        pl.kernel,
        mesh=mesh,
        out_type=jax.ShapeDtypeStruct((B, SB, 8, 2 * D), jnp.float32),
        compiler_params=pltpu.CompilerParams(use_tc_tiling_on_sc=False),
        scratch_types=(
            [pltpu.VMEM((S, bpw, LB), jnp.int32)]
            + [pltpu.VMEM((LB, D), jnp.float32) for _ in range(2)]
            + [pltpu.VMEM((LB, 1, 1, D), jnp.float32) for _ in range(2)]
            + [pltpu.SemaphoreType.DMA for _ in range(4)]
        ),
    )
    def k(xl_hbm, tab_hbm, out_hbm, xv_all, *scr):
        rows = scr[0:2]
        outr = scr[2:4]
        gsem = scr[4:6]
        ssem = scr[6:8]
        wid = lax.axis_index("s") * NC + lax.axis_index("c")
        bb0 = wid * bpw

        pltpu.sync_copy(xl_hbm.at[:, pl.ds(bb0, bpw), :], xv_all)

        def coords(i):
            bo = i // S
            s = i - bo * S
            return bo, s

        def start_gather(i, b):
            bo, s = coords(i)
            pltpu.async_copy(tab_hbm.at[xv_all.at[s, bo]], rows[b], gsem[b])

        def out_slice(i):
            bo, s = coords(i)
            so = s // 8
            ss = s - so * 8
            return out_hbm.at[
                pl.ds((bb0 + bo) * LB, LB),
                pl.ds(so, 1),
                pl.ds(ss, 1),
                pl.ds(0, D),
            ]

        def wait_store(i, b):
            pltpu.make_async_copy(outr[b], out_slice(i), ssem[b]).wait()

        start_gather(0, 0)

        @pl.loop(0, n_grp, step=2)
        def _grp(g):
            for b in range(2):
                i = g + b
                nb = (b + 1) % 2

                @pl.when(i + 1 < n_grp)
                def _():
                    start_gather(i + 1, nb)

                pltpu.make_async_copy(
                    tab_hbm.at[xv_all.at[0, 0]], rows[b], gsem[b]
                ).wait()

                @pl.when(i >= 2)
                def _():
                    wait_store(i - 2, b)

                @plsc.parallel_loop(0, LB, unroll=2)
                def _scale(r):
                    for kk in range(D // L):
                        sl = pl.ds(kk * L, L)
                        outr[b][r, 0, 0, sl] = rows[b][r, sl] * SCALE

                pltpu.async_copy(outr[b], out_slice(i), ssem[b])

        wait_store(n_grp - 2, 0)
        wait_store(n_grp - 1, 1)

    return k


def kernel(x, table):
    B, S = x.shape
    V, D = table.shape
    SB = (S + 7) // 8
    xl = _make_pre_kernel(B, S)(x.T)
    out5 = _make_main_kernel(B, S, V, D)(xl, table)
    out = out5.reshape(B, SB * 8, 2 * D)[:, :S, :D]
    return out

# --- scband reference (transcript-rebuilt; emitter-appended) ---
"""Pipeline reference for scband-node-embedding-52536039965261 (READ-ONLY COPY).

The authoritative reference and input builder live on the scoring server;
editing this copy changes nothing except your own understanding.
"""

import jax, jax.numpy as jnp
import numpy as np
import math

D_VOCAB = 1000000
D_MODEL = 64

def setup_inputs(seed: int = 0) -> dict:
    key = jax.random.key(seed)
    k1, k2 = jax.random.split(key)
    x = jax.random.randint(k1, (16384, 50), 0, D_VOCAB, dtype=jnp.int64 if jax.config.jax_enable_x64 else jnp.int32).astype(jnp.int32)
    # nn.Embedding default init: N(0, 1)
    table = jax.random.normal(k2, (D_VOCAB, D_MODEL), dtype=jnp.float32)
    return {"x": x, "table": table}

def reference(x, table):
    # NodeEmbedding.forward: embedding(x) * sqrt(d_model)
    emb = jnp.take(table, x, axis=0)
    return emb * math.sqrt(D_MODEL)

if __name__ == "__main__":
    import jax
    _d = setup_inputs()
    print(jax.jit(kernel)(*tuple(_d.values())))

</pallas_src>

<mosaic_0001>
#map = affine_map<(d0, d1) -> (0, 0)>
#map1 = affine_map<(d0, d1) -> (0, 0, 0)>
module attributes {stable_mosaic.version = 14 : i64} {
  func.func @k(%arg0: i32, %arg1: i32, %arg2: memref<50x16384xi32, #tpu.memory_space<hbm>>, %arg3: memref<50x128x128xi32, #tpu.memory_space<hbm>>, %arg4: memref<50x1x128xi32, #tpu.memory_space<vmem>>, %arg5: memref<50x1x128xi32, #tpu.memory_space<vmem>>, %arg6: memref<!tpu.dma_semaphore, #tpu.memory_space<semaphore_mem>>, %arg7: memref<!tpu.dma_semaphore, #tpu.memory_space<semaphore_mem>>, %arg8: memref<!tpu.dma_semaphore, #tpu.memory_space<semaphore_mem>>, %arg9: memref<!tpu.dma_semaphore, #tpu.memory_space<semaphore_mem>>) attributes {dimension_semantics = [#tpu.dimension_semantics<core_parallel>, #tpu.dimension_semantics<subcore_parallel>], iteration_bounds = array<i64: 2, 16>, scalar_prefetch = 0 : i64, scratch_operands = 6 : i64, tpu.core_type = #tpu.core_type<sc_vector_subcore>, window_params = [{transform_indices = #map}, {transform_indices = #map1}]} {
    %mul3A = arith.constant 2 : i32
    %mul3A_0 = arith.muli %arg1, %mul3A : i32
    %add3A = arith.addi %mul3A_0, %arg0 : i32
    %mul3A_1 = arith.constant 4 : i32
    %mul3A_2 = arith.muli %add3A, %mul3A_1 : i32
    %mul3A_3 = arith.constant 128 : i32
    %mul3A_4 = arith.muli %mul3A_2, %mul3A_3 : i32
    %dma_start3A = arith.constant 0 : i32
    %dma_start3A_5 = arith.constant 0 : i32
    %dma_start3A_6 = arith.constant 0 : i32
    %dma_start3A_7 = tpu.memref_slice %arg4[%dma_start3A_5, %dma_start3A, %dma_start3A_6] : memref<50x1x128xi32, #tpu.memory_space<vmem>> -> memref<50x1x128xi32, #tpu.memory_space<vmem>>
    %dma_start3A_8 = tpu.memref_squeeze %dma_start3A_7 : memref<50x1x128xi32, #tpu.memory_space<vmem>> -> memref<50x128xi32, #tpu.memory_space<vmem>>
    %dma_start3A_9 = arith.constant 0 : i32
    %dma_start3A_10 = tpu.memref_slice %arg2[%dma_start3A_9, %mul3A_4] : memref<50x16384xi32, #tpu.memory_space<hbm>> -> memref<50x128xi32, #tpu.memory_space<hbm>>
    %dma_start3A_11 = arith.constant 0 : i32
    %dma_start3A_12 = arith.constant 0 : i32
    %dma_start3A_13 = tpu.memref_slice %arg4[%dma_start3A_11, %dma_start3A, %dma_start3A_12] : memref<50x1x128xi32, #tpu.memory_space<vmem>> -> memref<50x1x128xi32, #tpu.memory_space<vmem>>
    %dma_start3A_14 = tpu.memref_squeeze %dma_start3A_13 : memref<50x1x128xi32, #tpu.memory_space<vmem>> -> memref<50x128xi32, #tpu.memory_space<vmem>>
    %dma_start3A_15 = arith.constant 0 : i32
    %dma_start3A_16 = tpu.memref_slice %arg2[%dma_start3A_15, %mul3A_4] : memref<50x16384xi32, #tpu.memory_space<hbm>> -> memref<50x128xi32, #tpu.memory_space<hbm>>
    tpu.enqueue_dma source(%dma_start3A_16 : memref<50x128xi32, #tpu.memory_space<hbm>>) target(%dma_start3A_14 : memref<50x128xi32, #tpu.memory_space<vmem>>) target_semaphore(%arg6 : memref<!tpu.dma_semaphore, #tpu.memory_space<semaphore_mem>>)
    %add3A_17 = arith.constant 0 : i32
    %add3A_18 = arith.addi %mul3A_2, %add3A_17 : i32
    %add3A_19 = arith.constant 1 : i32
    %add3A_20 = arith.addi %add3A_18, %add3A_19 : i32
    %mul3A_21 = arith.constant 128 : i32
    %mul3A_22 = arith.muli %add3A_20, %mul3A_21 : i32
    %dma_start3A_23 = arith.constant 0 : i32
    %dma_start3A_24 = arith.constant 0 : i32
    %dma_start3A_25 = arith.constant 0 : i32
    %dma_start3A_26 = tpu.memref_slice %arg5[%dma_start3A_24, %dma_start3A_23, %dma_start3A_25] : memref<50x1x128xi32, #tpu.memory_space<vmem>> -> memref<50x1x128xi32, #tpu.memory_space<vmem>>
    %dma_start3A_27 = tpu.memref_squeeze %dma_start3A_26 : memref<50x1x128xi32, #tpu.memory_space<vmem>> -> memref<50x128xi32, #tpu.memory_space<vmem>>
    %dma_start3A_28 = arith.constant 0 : i32
    %dma_start3A_29 = tpu.memref_slice %arg2[%dma_start3A_28, %mul3A_22] : memref<50x16384xi32, #tpu.memory_space<hbm>> -> memref<50x128xi32, #tpu.memory_space<hbm>>
    %dma_start3A_30 = arith.constant 0 : i32
    %dma_start3A_31 = arith.constant 0 : i32
    %dma_start3A_32 = tpu.memref_slice %arg5[%dma_start3A_30, %dma_start3A_23, %dma_start3A_31] : memref<50x1x128xi32, #tpu.memory_space<vmem>> -> memref<50x1x128xi32, #tpu.memory_space<vmem>>
    %dma_start3A_33 = tpu.memref_squeeze %dma_start3A_32 : memref<50x1x128xi32, #tpu.memory_space<vmem>> -> memref<50x128xi32, #tpu.memory_space<vmem>>
    %dma_start3A_34 = arith.constant 0 : i32
    %dma_start3A_35 = tpu.memref_slice %arg2[%dma_start3A_34, %mul3A_22] : memref<50x16384xi32, #tpu.memory_space<hbm>> -> memref<50x128xi32, #tpu.memory_space<hbm>>
    tpu.enqueue_dma source(%dma_start3A_35 : memref<50x128xi32, #tpu.memory_space<hbm>>) target(%dma_start3A_33 : memref<50x128xi32, #tpu.memory_space<vmem>>) target_semaphore(%arg7 : memref<!tpu.dma_semaphore, #tpu.memory_space<semaphore_mem>>)
    %add3A_36 = arith.constant 0 : i32
    %add3A_37 = arith.addi %mul3A_2, %add3A_36 : i32
    %mul3A_38 = arith.constant 128 : i32
    %mul3A_39 = arith.muli %add3A_37, %mul3A_38 : i32
    %dma_wait3A = arith.constant 0 : i32
    %dma_wait3A_40 = arith.constant 0 : i32
    %dma_wait3A_41 = arith.constant 0 : i32
    %dma_wait3A_42 = tpu.memref_slice %arg4[%dma_wait3A_40, %dma_wait3A, %dma_wait3A_41] : memref<50x1x128xi32, #tpu.memory_space<vmem>> -> memref<50x1x128xi32, #tpu.memory_space<vmem>>
    %dma_wait3A_43 = tpu.memref_squeeze %dma_wait3A_42 : memref<50x1x128xi32, #tpu.memory_space<vmem>> -> memref<50x128xi32, #tpu.memory_space<vmem>>
    %dma_wait3A_44 = arith.constant 0 : i32
    %dma_wait3A_45 = tpu.memref_slice %arg2[%dma_wait3A_44, %mul3A_39] : memref<50x16384xi32, #tpu.memory_space<hbm>> -> memref<50x128xi32, #tpu.memory_space<hbm>>
    %dma_wait3A_46 = arith.constant 0 : i32
    %dma_wait3A_47 = arith.constant 0 : i32
    %dma_wait3A_48 = tpu.memref_slice %arg4[%dma_wait3A_46, %dma_wait3A, %dma_wait3A_47] : memref<50x1x128xi32, #tpu.memory_space<vmem>> -> memref<50x1x128xi32, #tpu.memory_space<vmem>>
    %dma_wait3A_49 = tpu.memref_squeeze %dma_wait3A_48 : memref<50x1x128xi32, #tpu.memory_space<vmem>> -> memref<50x128xi32, #tpu.memory_space<vmem>>
    %dma_wait3A_50 = arith.constant 0 : i32
    %dma_wait3A_51 = tpu.memref_slice %arg2[%dma_wait3A_50, %mul3A_39] : memref<50x16384xi32, #tpu.memory_space<hbm>> -> memref<50x128xi32, #tpu.memory_space<hbm>>
    tpu.wait_dma2 semaphore(%arg6 : memref<!tpu.dma_semaphore, #tpu.memory_space<semaphore_mem>>) src(%dma_wait3A_51 : memref<50x128xi32, #tpu.memory_space<hbm>>) dst(%dma_wait3A_49 : memref<50x128xi32, #tpu.memory_space<vmem>>)
    %add3A_52 = arith.constant 0 : i32
    %add3A_53 = arith.addi %mul3A_2, %add3A_52 : i32
    %dma_start3A_54 = arith.constant 0 : i32
    %dma_start3A_55 = arith.constant 0 : i32
    %dma_start3A_56 = tpu.memref_slice %arg3[%dma_start3A_54, %add3A_53, %dma_start3A_55] : memref<50x128x128xi32, #tpu.memory_space<hbm>> -> memref<50x1x128xi32, #tpu.memory_space<hbm>>
    %dma_start3A_57 = arith.constant 0 : i32
    %dma_start3A_58 = arith.constant 0 : i32
    %dma_start3A_59 = tpu.memref_slice %arg3[%dma_start3A_57, %add3A_53, %dma_start3A_58] : memref<50x128x128xi32, #tpu.memory_space<hbm>> -> memref<50x1x128xi32, #tpu.memory_space<hbm>>
    tpu.enqueue_dma source(%arg4 : memref<50x1x128xi32, #tpu.memory_space<vmem>>) target(%dma_start3A_59 : memref<50x1x128xi32, #tpu.memory_space<hbm>>) target_semaphore(%arg8 : memref<!tpu.dma_semaphore, #tpu.memory_space<semaphore_mem>>)
    %add3A_60 = arith.constant 1 : i32
    %add3A_61 = arith.addi %mul3A_2, %add3A_60 : i32
    %sub3A = arith.constant 1 : i32
    %sub3A_62 = arith.subi %add3A_61, %sub3A : i32
    %dma_wait3A_63 = arith.constant 0 : i32
    %dma_wait3A_64 = arith.constant 0 : i32
    %dma_wait3A_65 = tpu.memref_slice %arg3[%dma_wait3A_63, %sub3A_62, %dma_wait3A_64] : memref<50x128x128xi32, #tpu.memory_space<hbm>> -> memref<50x1x128xi32, #tpu.memory_space<hbm>>
    %dma_wait3A_66 = arith.constant 0 : i32
    %dma_wait3A_67 = arith.constant 0 : i32
    %dma_wait3A_68 = tpu.memref_slice %arg3[%dma_wait3A_66, %sub3A_62, %dma_wait3A_67] : memref<50x128x128xi32, #tpu.memory_space<hbm>> -> memref<50x1x128xi32, #tpu.memory_space<hbm>>
    tpu.wait_dma2 semaphore(%arg8 : memref<!tpu.dma_semaphore, #tpu.memory_space<semaphore_mem>>) src(%arg4 : memref<50x1x128xi32, #tpu.memory_space<vmem>>) dst(%dma_wait3A_68 : memref<50x1x128xi32, #tpu.memory_space<hbm>>)
    %add3A_69 = arith.constant 1 : i32
    %add3A_70 = arith.addi %mul3A_2, %add3A_69 : i32
    %add3A_71 = arith.constant 1 : i32
    %add3A_72 = arith.addi %add3A_70, %add3A_71 : i32
    %mul3A_73 = arith.constant 128 : i32
    %mul3A_74 = arith.muli %add3A_72, %mul3A_73 : i32
    %dma_start3A_75 = arith.constant 0 : i32
    %dma_start3A_76 = arith.constant 0 : i32
    %dma_start3A_77 = arith.constant 0 : i32
    %dma_start3A_78 = tpu.memref_slice %arg4[%dma_start3A_76, %dma_start3A_75, %dma_start3A_77] : memref<50x1x128xi32, #tpu.memory_space<vmem>> -> memref<50x1x128xi32, #tpu.memory_space<vmem>>
    %dma_start3A_79 = tpu.memref_squeeze %dma_start3A_78 : memref<50x1x128xi32, #tpu.memory_space<vmem>> -> memref<50x128xi32, #tpu.memory_space<vmem>>
    %dma_start3A_80 = arith.constant 0 : i32
    %dma_start3A_81 = tpu.memref_slice %arg2[%dma_start3A_80, %mul3A_74] : memref<50x16384xi32, #tpu.memory_space<hbm>> -> memref<50x128xi32, #tpu.memory_space<hbm>>
    %dma_start3A_82 = arith.constant 0 : i32
    %dma_start3A_83 = arith.constant 0 : i32
    %dma_start3A_84 = tpu.memref_slice %arg4[%dma_start3A_82, %dma_start3A_75, %dma_start3A_83] : memref<50x1x128xi32, #tpu.memory_space<vmem>> -> memref<50x1x128xi32, #tpu.memory_space<vmem>>
    %dma_start3A_85 = tpu.memref_squeeze %dma_start3A_84 : memref<50x1x128xi32, #tpu.memory_space<vmem>> -> memref<50x128xi32, #tpu.memory_space<vmem>>
    %dma_start3A_86 = arith.constant 0 : i32
    %dma_start3A_87 = tpu.memref_slice %arg2[%dma_start3A_86, %mul3A_74] : memref<50x16384xi32, #tpu.memory_space<hbm>> -> memref<50x128xi32, #tpu.memory_space<hbm>>
    tpu.enqueue_dma source(%dma_start3A_87 : memref<50x128xi32, #tpu.memory_space<hbm>>) target(%dma_start3A_85 : memref<50x128xi32, #tpu.memory_space<vmem>>) target_semaphore(%arg6 : memref<!tpu.dma_semaphore, #tpu.memory_space<semaphore_mem>>)
    %add3A_88 = arith.constant 1 : i32
    %add3A_89 = arith.addi %mul3A_2, %add3A_88 : i32
    %mul3A_90 = arith.constant 128 : i32
    %mul3A_91 = arith.muli %add3A_89, %mul3A_90 : i32
    %dma_wait3A_92 = arith.constant 0 : i32
    %dma_wait3A_93 = arith.constant 0 : i32
    %dma_wait3A_94 = arith.constant 0 : i32
    %dma_wait3A_95 = tpu.memref_slice %arg5[%dma_wait3A_93, %dma_wait3A_92, %dma_wait3A_94] : memref<50x1x128xi32, #tpu.memory_space<vmem>> -> memref<50x1x128xi32, #tpu.memory_space<vmem>>
    %dma_wait3A_96 = tpu.memref_squeeze %dma_wait3A_95 : memref<50x1x128xi32, #tpu.memory_space<vmem>> -> memref<50x128xi32, #tpu.memory_space<vmem>>
    %dma_wait3A_97 = arith.constant 0 : i32
    %dma_wait3A_98 = tpu.memref_slice %arg2[%dma_wait3A_97, %mul3A_91] : memref<50x16384xi32, #tpu.memory_space<hbm>> -> memref<50x128xi32, #tpu.memory_space<hbm>>
    %dma_wait3A_99 = arith.constant 0 : i32
    %dma_wait3A_100 = arith.constant 0 : i32
    %dma_wait3A_101 = tpu.memref_slice %arg5[%dma_wait3A_99, %dma_wait3A_92, %dma_wait3A_100] : memref<50x1x128xi32, #tpu.memory_space<vmem>> -> memref<50x1x128xi32, #tpu.memory_space<vmem>>
    %dma_wait3A_102 = tpu.memref_squeeze %dma_wait3A_101 : memref<50x1x128xi32, #tpu.memory_space<vmem>> -> memref<50x128xi32, #tpu.memory_space<vmem>>
    %dma_wait3A_103 = arith.constant 0 : i32
    %dma_wait3A_104 = tpu.memref_slice %arg2[%dma_wait3A_103, %mul3A_91] : memref<50x16384xi32, #tpu.memory_space<hbm>> -> memref<50x128xi32, #tpu.memory_space<hbm>>
    tpu.wait_dma2 semaphore(%arg7 : memref<!tpu.dma_semaphore, #tpu.memory_space<semaphore_mem>>) src(%dma_wait3A_104 : memref<50x128xi32, #tpu.memory_space<hbm>>) dst(%dma_wait3A_102 : memref<50x128xi32, #tpu.memory_space<vmem>>)
    %add3A_105 = arith.constant 1 : i32
    %add3A_106 = arith.addi %mul3A_2, %add3A_105 : i32
    %dma_start3A_107 = arith.constant 0 : i32
    %dma_start3A_108 = arith.constant 0 : i32
    %dma_start3A_109 = tpu.memref_slice %arg3[%dma_start3A_107, %add3A_106, %dma_start3A_108] : memref<50x128x128xi32, #tpu.memory_space<hbm>> -> memref<50x1x128xi32, #tpu.memory_space<hbm>>
    %dma_start3A_110 = arith.constant 0 : i32
    %dma_start3A_111 = arith.constant 0 : i32
    %dma_start3A_112 = tpu.memref_slice %arg3[%dma_start3A_110, %add3A_106, %dma_start3A_111] : memref<50x128x128xi32, #tpu.memory_space<hbm>> -> memref<50x1x128xi32, #tpu.memory_space<hbm>>
    tpu.enqueue_dma source(%arg5 : memref<50x1x128xi32, #tpu.memory_space<vmem>>) target(%dma_start3A_112 : memref<50x1x128xi32, #tpu.memory_space<hbm>>) target_semaphore(%arg9 : memref<!tpu.dma_semaphore, #tpu.memory_space<semaphore_mem>>)
    %add3A_113 = arith.constant 2 : i32
    %add3A_114 = arith.addi %mul3A_2, %add3A_113 : i32
    %sub3A_115 = arith.constant 1 : i32
    %sub3A_116 = arith.subi %add3A_114, %sub3A_115 : i32
    %dma_wait3A_117 = arith.constant 0 : i32
    %dma_wait3A_118 = arith.constant 0 : i32
    %dma_wait3A_119 = tpu.memref_slice %arg3[%dma_wait3A_117, %sub3A_116, %dma_wait3A_118] : memref<50x128x128xi32, #tpu.memory_space<hbm>> -> memref<50x1x128xi32, #tpu.memory_space<hbm>>
    %dma_wait3A_120 = arith.constant 0 : i32
    %dma_wait3A_121 = arith.constant 0 : i32
    %dma_wait3A_122 = tpu.memref_slice %arg3[%dma_wait3A_120, %sub3A_116, %dma_wait3A_121] : memref<50x128x128xi32, #tpu.memory_space<hbm>> -> memref<50x1x128xi32, #tpu.memory_space<hbm>>
    tpu.wait_dma2 semaphore(%arg9 : memref<!tpu.dma_semaphore, #tpu.memory_space<semaphore_mem>>) src(%arg5 : memref<50x1x128xi32, #tpu.memory_space<vmem>>) dst(%dma_wait3A_122 : memref<50x1x128xi32, #tpu.memory_space<hbm>>)
    %add3A_123 = arith.constant 2 : i32
    %add3A_124 = arith.addi %mul3A_2, %add3A_123 : i32
    %add3A_125 = arith.constant 1 : i32
    %add3A_126 = arith.addi %add3A_124, %add3A_125 : i32
    %mul3A_127 = arith.constant 128 : i32
    %mul3A_128 = arith.muli %add3A_126, %mul3A_127 : i32
    %dma_start3A_129 = arith.constant 0 : i32
    %dma_start3A_130 = arith.constant 0 : i32
    %dma_start3A_131 = arith.constant 0 : i32
    %dma_start3A_132 = tpu.memref_slice %arg5[%dma_start3A_130, %dma_start3A_129, %dma_start3A_131] : memref<50x1x128xi32, #tpu.memory_space<vmem>> -> memref<50x1x128xi32, #tpu.memory_space<vmem>>
    %dma_start3A_133 = tpu.memref_squeeze %dma_start3A_132 : memref<50x1x128xi32, #tpu.memory_space<vmem>> -> memref<50x128xi32, #tpu.memory_space<vmem>>
    %dma_start3A_134 = arith.constant 0 : i32
    %dma_start3A_135 = tpu.memref_slice %arg2[%dma_start3A_134, %mul3A_128] : memref<50x16384xi32, #tpu.memory_space<hbm>> -> memref<50x128xi32, #tpu.memory_space<hbm>>
    %dma_start3A_136 = arith.constant 0 : i32
    %dma_start3A_137 = arith.constant 0 : i32
    %dma_start3A_138 = tpu.memref_slice %arg5[%dma_start3A_136, %dma_start3A_129, %dma_start3A_137] : memref<50x1x128xi32, #tpu.memory_space<vmem>> -> memref<50x1x128xi32, #tpu.memory_space<vmem>>
    %dma_start3A_139 = tpu.memref_squeeze %dma_start3A_138 : memref<50x1x128xi32, #tpu.memory_space<vmem>> -> memref<50x128xi32, #tpu.memory_space<vmem>>
    %dma_start3A_140 = arith.constant 0 : i32
    %dma_start3A_141 = tpu.memref_slice %arg2[%dma_start3A_140, %mul3A_128] : memref<50x16384xi32, #tpu.memory_space<hbm>> -> memref<50x128xi32, #tpu.memory_space<hbm>>
    tpu.enqueue_dma source(%dma_start3A_141 : memref<50x128xi32, #tpu.memory_space<hbm>>) target(%dma_start3A_139 : memref<50x128xi32, #tpu.memory_space<vmem>>) target_semaphore(%arg7 : memref<!tpu.dma_semaphore, #tpu.memory_space<semaphore_mem>>)
    %add3A_142 = arith.constant 2 : i32
    %add3A_143 = arith.addi %mul3A_2, %add3A_142 : i32
    %mul3A_144 = arith.constant 128 : i32
    %mul3A_145 = arith.muli %add3A_143, %mul3A_144 : i32
    %dma_wait3A_146 = arith.constant 0 : i32
    %dma_wait3A_147 = arith.constant 0 : i32
    %dma_wait3A_148 = arith.constant 0 : i32
    %dma_wait3A_149 = tpu.memref_slice %arg4[%dma_wait3A_147, %dma_wait3A_146, %dma_wait3A_148] : memref<50x1x128xi32, #tpu.memory_space<vmem>> -> memref<50x1x128xi32, #tpu.memory_space<vmem>>
    %dma_wait3A_150 = tpu.memref_squeeze %dma_wait3A_149 : memref<50x1x128xi32, #tpu.memory_space<vmem>> -> memref<50x128xi32, #tpu.memory_space<vmem>>
    %dma_wait3A_151 = arith.constant 0 : i32
    %dma_wait3A_152 = tpu.memref_slice %arg2[%dma_wait3A_151, %mul3A_145] : memref<50x16384xi32, #tpu.memory_space<hbm>> -> memref<50x128xi32, #tpu.memory_space<hbm>>
    %dma_wait3A_153 = arith.constant 0 : i32
    %dma_wait3A_154 = arith.constant 0 : i32
    %dma_wait3A_155 = tpu.memref_slice %arg4[%dma_wait3A_153, %dma_wait3A_146, %dma_wait3A_154] : memref<50x1x128xi32, #tpu.memory_space<vmem>> -> memref<50x1x128xi32, #tpu.memory_space<vmem>>
    %dma_wait3A_156 = tpu.memref_squeeze %dma_wait3A_155 : memref<50x1x128xi32, #tpu.memory_space<vmem>> -> memref<50x128xi32, #tpu.memory_space<vmem>>
    %dma_wait3A_157 = arith.constant 0 : i32
    %dma_wait3A_158 = tpu.memref_slice %arg2[%dma_wait3A_157, %mul3A_145] : memref<50x16384xi32, #tpu.memory_space<hbm>> -> memref<50x128xi32, #tpu.memory_space<hbm>>
    tpu.wait_dma2 semaphore(%arg6 : memref<!tpu.dma_semaphore, #tpu.memory_space<semaphore_mem>>) src(%dma_wait3A_158 : memref<50x128xi32, #tpu.memory_space<hbm>>) dst(%dma_wait3A_156 : memref<50x128xi32, #tpu.memory_space<vmem>>)
    %add3A_159 = arith.constant 2 : i32
    %add3A_160 = arith.addi %mul3A_2, %add3A_159 : i32
    %dma_start3A_161 = arith.constant 0 : i32
    %dma_start3A_162 = arith.constant 0 : i32
    %dma_start3A_163 = tpu.memref_slice %arg3[%dma_start3A_161, %add3A_160, %dma_start3A_162] : memref<50x128x128xi32, #tpu.memory_space<hbm>> -> memref<50x1x128xi32, #tpu.memory_space<hbm>>
    %dma_start3A_164 = arith.constant 0 : i32
    %dma_start3A_165 = arith.constant 0 : i32
    %dma_start3A_166 = tpu.memref_slice %arg3[%dma_start3A_164, %add3A_160, %dma_start3A_165] : memref<50x128x128xi32, #tpu.memory_space<hbm>> -> memref<50x1x128xi32, #tpu.memory_space<hbm>>
    tpu.enqueue_dma source(%arg4 : memref<50x1x128xi32, #tpu.memory_space<vmem>>) target(%dma_start3A_166 : memref<50x1x128xi32, #tpu.memory_space<hbm>>) target_semaphore(%arg8 : memref<!tpu.dma_semaphore, #tpu.memory_space<semaphore_mem>>)
    %add3A_167 = arith.constant 3 : i32
    %add3A_168 = arith.addi %mul3A_2, %add3A_167 : i32
    %mul3A_169 = arith.constant 128 : i32
    %mul3A_170 = arith.muli %add3A_168, %mul3A_169 : i32
    %dma_wait3A_171 = arith.constant 0 : i32
    %dma_wait3A_172 = arith.constant 0 : i32
    %dma_wait3A_173 = arith.constant 0 : i32
    %dma_wait3A_174 = tpu.memref_slice %arg5[%dma_wait3A_172, %dma_wait3A_171, %dma_wait3A_173] : memref<50x1x128xi32, #tpu.memory_space<vmem>> -> memref<50x1x128xi32, #tpu.memory_space<vmem>>
    %dma_wait3A_175 = tpu.memref_squeeze %dma_wait3A_174 : memref<50x1x128xi32, #tpu.memory_space<vmem>> -> memref<50x128xi32, #tpu.memory_space<vmem>>
    %dma_wait3A_176 = arith.constant 0 : i32
    %dma_wait3A_177 = tpu.memref_slice %arg2[%dma_wait3A_176, %mul3A_170] : memref<50x16384xi32, #tpu.memory_space<hbm>> -> memref<50x128xi32, #tpu.memory_space<hbm>>
    %dma_wait3A_178 = arith.constant 0 : i32
    %dma_wait3A_179 = arith.constant 0 : i32
    %dma_wait3A_180 = tpu.memref_slice %arg5[%dma_wait3A_178, %dma_wait3A_171, %dma_wait3A_179] : memref<50x1x128xi32, #tpu.memory_space<vmem>> -> memref<50x1x128xi32, #tpu.memory_space<vmem>>
    %dma_wait3A_181 = tpu.memref_squeeze %dma_wait3A_180 : memref<50x1x128xi32, #tpu.memory_space<vmem>> -> memref<50x128xi32, #tpu.memory_space<vmem>>
    %dma_wait3A_182 = arith.constant 0 : i32
    %dma_wait3A_183 = tpu.memref_slice %arg2[%dma_wait3A_182, %mul3A_170] : memref<50x16384xi32, #tpu.memory_space<hbm>> -> memref<50x128xi32, #tpu.memory_space<hbm>>
    tpu.wait_dma2 semaphore(%arg7 : memref<!tpu.dma_semaphore, #tpu.memory_space<semaphore_mem>>) src(%dma_wait3A_183 : memref<50x128xi32, #tpu.memory_space<hbm>>) dst(%dma_wait3A_181 : memref<50x128xi32, #tpu.memory_space<vmem>>)
    %add3A_184 = arith.constant 3 : i32
    %add3A_185 = arith.addi %mul3A_2, %add3A_184 : i32
    %dma_start3A_186 = arith.constant 0 : i32
    %dma_start3A_187 = arith.constant 0 : i32
    %dma_start3A_188 = tpu.memref_slice %arg3[%dma_start3A_186, %add3A_185, %dma_start3A_187] : memref<50x128x128xi32, #tpu.memory_space<hbm>> -> memref<50x1x128xi32, #tpu.memory_space<hbm>>
    %dma_start3A_189 = arith.constant 0 : i32
    %dma_start3A_190 = arith.constant 0 : i32
    %dma_start3A_191 = tpu.memref_slice %arg3[%dma_start3A_189, %add3A_185, %dma_start3A_190] : memref<50x128x128xi32, #tpu.memory_space<hbm>> -> memref<50x1x128xi32, #tpu.memory_space<hbm>>
    tpu.enqueue_dma source(%arg5 : memref<50x1x128xi32, #tpu.memory_space<vmem>>) target(%dma_start3A_191 : memref<50x1x128xi32, #tpu.memory_space<hbm>>) target_semaphore(%arg9 : memref<!tpu.dma_semaphore, #tpu.memory_space<semaphore_mem>>)
    %add3A_192 = arith.constant 4 : i32
    %add3A_193 = arith.addi %mul3A_2, %add3A_192 : i32
    %sub3A_194 = arith.constant 2 : i32
    %sub3A_195 = arith.subi %add3A_193, %sub3A_194 : i32
    %dma_wait3A_196 = arith.constant 0 : i32
    %dma_wait3A_197 = arith.constant 0 : i32
    %dma_wait3A_198 = tpu.memref_slice %arg3[%dma_wait3A_196, %sub3A_195, %dma_wait3A_197] : memref<50x128x128xi32, #tpu.memory_space<hbm>> -> memref<50x1x128xi32, #tpu.memory_space<hbm>>
    %dma_wait3A_199 = arith.constant 0 : i32
    %dma_wait3A_200 = arith.constant 0 : i32
    %dma_wait3A_201 = tpu.memref_slice %arg3[%dma_wait3A_199, %sub3A_195, %dma_wait3A_200] : memref<50x128x128xi32, #tpu.memory_space<hbm>> -> memref<50x1x128xi32, #tpu.memory_space<hbm>>
    tpu.wait_dma2 semaphore(%arg8 : memref<!tpu.dma_semaphore, #tpu.memory_space<semaphore_mem>>) src(%arg4 : memref<50x1x128xi32, #tpu.memory_space<vmem>>) dst(%dma_wait3A_201 : memref<50x1x128xi32, #tpu.memory_space<hbm>>)
    %add3A_202 = arith.constant 4 : i32
    %add3A_203 = arith.addi %mul3A_2, %add3A_202 : i32
    %sub3A_204 = arith.constant 1 : i32
    %sub3A_205 = arith.subi %add3A_203, %sub3A_204 : i32
    %dma_wait3A_206 = arith.constant 0 : i32
    %dma_wait3A_207 = arith.constant 0 : i32
    %dma_wait3A_208 = tpu.memref_slice %arg3[%dma_wait3A_206, %sub3A_205, %dma_wait3A_207] : memref<50x128x128xi32, #tpu.memory_space<hbm>> -> memref<50x1x128xi32, #tpu.memory_space<hbm>>
    %dma_wait3A_209 = arith.constant 0 : i32
    %dma_wait3A_210 = arith.constant 0 : i32
    %dma_wait3A_211 = tpu.memref_slice %arg3[%dma_wait3A_209, %sub3A_205, %dma_wait3A_210] : memref<50x128x128xi32, #tpu.memory_space<hbm>> -> memref<50x1x128xi32, #tpu.memory_space<hbm>>
    tpu.wait_dma2 semaphore(%arg9 : memref<!tpu.dma_semaphore, #tpu.memory_space<semaphore_mem>>) src(%arg5 : memref<50x1x128xi32, #tpu.memory_space<vmem>>) dst(%dma_wait3A_211 : memref<50x1x128xi32, #tpu.memory_space<hbm>>)
    return
  }
}

#map = affine_map<(d0, d1) -> (0, 0, 0)>
#map1 = affine_map<(d0, d1) -> (0, 0)>
#map2 = affine_map<(d0, d1) -> (0, 0, 0, 0)>
module attributes {stable_mosaic.version = 14 : i64} {
  func.func @k(%arg0: i32, %arg1: i32, %arg2: memref<50x128x128xi32, #tpu.memory_space<hbm>>, %arg3: memref<1000000x64xf32, #tpu.memory_space<hbm>>, %arg4: memref<16384x7x8x128xf32, #tpu.memory_space<hbm>>, %arg5: memref<50x4x128xi32, #tpu.memory_space<vmem>>, %arg6: memref<128x64xf32, #tpu.memory_space<vmem>>, %arg7: memref<128x64xf32, #tpu.memory_space<vmem>>, %arg8: memref<128x1x1x64xf32, #tpu.memory_space<vmem>>, %arg9: memref<128x1x1x64xf32, #tpu.memory_space<vmem>>, %arg10: memref<!tpu.dma_semaphore, #tpu.memory_space<semaphore_mem>>, %arg11: memref<!tpu.dma_semaphore, #tpu.memory_space<semaphore_mem>>, %arg12: memref<!tpu.dma_semaphore, #tpu.memory_space<semaphore_mem>>, %arg13: memref<!tpu.dma_semaphore, #tpu.memory_space<semaphore_mem>>) attributes {dimension_semantics = [#tpu.dimension_semantics<core_parallel>, #tpu.dimension_semantics<subcore_parallel>], iteration_bounds = array<i64: 2, 16>, scalar_prefetch = 0 : i64, scratch_operands = 9 : i64, tpu.core_type = #tpu.core_type<sc_vector_subcore>, window_params = [{transform_indices = #map}, {transform_indices = #map1}, {transform_indices = #map2}]} {
    %mul3A = arith.constant 2 : i32
    %mul3A_0 = arith.muli %arg1, %mul3A : i32
    %add3A = arith.addi %mul3A_0, %arg0 : i32
    %mul3A_1 = arith.constant 4 : i32
    %mul3A_2 = arith.muli %add3A, %mul3A_1 : i32
    "tpu.region"() ({
      %run_scoped3A = tpu.sem_alloc : memref<!tpu.dma_semaphore, #tpu.memory_space<semaphore_mem>>
      %dma_start3A_37 = arith.constant 0 : i32
      %dma_start3A_38 = arith.constant 0 : i32
      %dma_start3A_39 = tpu.memref_slice %arg2[%dma_start3A_37, %mul3A_2, %dma_start3A_38] : memref<50x128x128xi32, #tpu.memory_space<hbm>> -> memref<50x4x128xi32, #tpu.memory_space<hbm>>
      %dma_start3A_40 = arith.constant 0 : i32
      %dma_start3A_41 = arith.constant 0 : i32
      %dma_start3A_42 = tpu.memref_slice %arg2[%dma_start3A_40, %mul3A_2, %dma_start3A_41] : memref<50x128x128xi32, #tpu.memory_space<hbm>> -> memref<50x4x128xi32, #tpu.memory_space<hbm>>
      tpu.enqueue_dma source(%dma_start3A_42 : memref<50x4x128xi32, #tpu.memory_space<hbm>>) target(%arg5 : memref<50x4x128xi32, #tpu.memory_space<vmem>>) target_semaphore(%run_scoped3A : memref<!tpu.dma_semaphore, #tpu.memory_space<semaphore_mem>>)
      %dma_wait3A_43 = arith.constant 0 : i32
      %dma_wait3A_44 = arith.constant 0 : i32
      %dma_wait3A_45 = tpu.memref_slice %arg2[%dma_wait3A_43, %mul3A_2, %dma_wait3A_44] : memref<50x128x128xi32, #tpu.memory_space<hbm>> -> memref<50x4x128xi32, #tpu.memory_space<hbm>>
      %dma_wait3A_46 = arith.constant 0 : i32
      %dma_wait3A_47 = arith.constant 0 : i32
      %dma_wait3A_48 = tpu.memref_slice %arg2[%dma_wait3A_46, %mul3A_2, %dma_wait3A_47] : memref<50x128x128xi32, #tpu.memory_space<hbm>> -> memref<50x4x128xi32, #tpu.memory_space<hbm>>
      tpu.wait_dma2 semaphore(%run_scoped3A : memref<!tpu.dma_semaphore, #tpu.memory_space<semaphore_mem>>) src(%dma_wait3A_48 : memref<50x4x128xi32, #tpu.memory_space<hbm>>) dst(%arg5 : memref<50x4x128xi32, #tpu.memory_space<vmem>>)
      tpu.yield
    }) : () -> ()
    %dma_start3A = arith.constant 0 : i32
    %dma_start3A_3 = arith.constant 0 : i32
    %dma_start3A_4 = arith.constant 0 : i32
    %dma_start3A_5 = tpu.memref_slice %arg5[%dma_start3A, %dma_start3A_3, %dma_start3A_4] : memref<50x4x128xi32, #tpu.memory_space<vmem>> -> memref<1x1x128xi32, #tpu.memory_space<vmem>>
    %dma_start3A_6 = tpu.memref_squeeze %dma_start3A_5 : memref<1x1x128xi32, #tpu.memory_space<vmem>> -> memref<128xi32, #tpu.memory_space<vmem>>
    %dma_start3A_7 = arith.constant 0 : i32
    %dma_start3A_8 = arith.constant 0 : i32
    %dma_start3A_9 = tpu.memref_slice %arg3[%dma_start3A_7, %dma_start3A_8] : memref<1000000x64xf32, #tpu.memory_space<hbm>> -> memref<1000000x64xf32, #tpu.memory_space<hbm>>
    tpu.enqueue_indirect_dma source(%dma_start3A_9 : memref<1000000x64xf32, #tpu.memory_space<hbm>>) target(%arg6 : memref<128x64xf32, #tpu.memory_space<vmem>>) offsets(%dma_start3A_6 : memref<128xi32, #tpu.memory_space<vmem>>) semaphore(%arg10 : memref<!tpu.dma_semaphore, #tpu.memory_space<semaphore_mem>>)
    %scan3A = arith.constant 0 : i32
    %scan3A_10 = arith.constant 100 : i32
    %scan3A_11 = arith.addi %scan3A, %scan3A_10 : i32
    %scan3A_12 = arith.constant 1 : i32
    scf.for %scan3A_37 = %scan3A to %scan3A_11 step %scan3A_12  : i32 {
      %mul3A_38 = arith.constant 2 : i32
      %mul3A_39 = arith.muli %scan3A_37, %mul3A_38 : i32
      %add3A_40 = arith.constant 0 : i32
      %add3A_41 = arith.addi %add3A_40, %mul3A_39 : i32
      %add3A_42 = arith.constant 0 : i32
      %add3A_43 = arith.addi %add3A_41, %add3A_42 : i32
      %add3A_44 = arith.constant 1 : i32
      %add3A_45 = arith.addi %add3A_43, %add3A_44 : i32
      %lt3A = arith.constant 200 : i32
      %lt3A_46 = arith.cmpi slt, %add3A_45, %lt3A : i32
      %convert_element_type3A = arith.extui %lt3A_46 : i1 to i32
      %cond3A = arith.constant 0 : i32
      %cond3A_47 = arith.cmpi ne, %convert_element_type3A, %cond3A : i32
      scf.if %cond3A_47 {
        %add3A_201 = arith.constant 1 : i32
        %add3A_202 = arith.addi %add3A_43, %add3A_201 : i32
        %jit3A_203 = arith.constant 50 : i32
        %div3A_204 = arith.divsi %add3A_202, %jit3A_203 : i32
        %sign3A_205 = arith.constant 0 : i32
        %sign3A_206 = arith.cmpi sgt, %add3A_202, %sign3A_205 : i32
        %sign3A_207 = arith.extui %sign3A_206 : i1 to i32
        %sign3A_208 = arith.constant 0 : i32
        %sign3A_209 = arith.cmpi slt, %add3A_202, %sign3A_208 : i32
        %sign3A_210 = arith.extui %sign3A_209 : i1 to i32
        %sign3A_211 = arith.subi %sign3A_207, %sign3A_210 : i32
        %sign3A_212 = arith.constant 0 : i32
        %sign3A_213 = arith.cmpi sgt, %jit3A_203, %sign3A_212 : i32
        %sign3A_214 = arith.extui %sign3A_213 : i1 to i32
        %sign3A_215 = arith.constant 0 : i32
        %sign3A_216 = arith.cmpi slt, %jit3A_203, %sign3A_215 : i32
        %sign3A_217 = arith.extui %sign3A_216 : i1 to i32
        %sign3A_218 = arith.subi %sign3A_214, %sign3A_217 : i32
        %ne3A_219 = arith.cmpi ne, %sign3A_211, %sign3A_218 : i32
        %rem3A_220 = arith.remsi %add3A_202, %jit3A_203 : i32
        %ne3A_221 = arith.constant 0 : i32
        %ne3A_222 = arith.cmpi ne, %rem3A_220, %ne3A_221 : i32
        %and3A_223 = arith.andi %ne3A_219, %ne3A_222 : i1
        %sub3A_224 = arith.constant 1 : i32
        %sub3A_225 = arith.subi %div3A_204, %sub3A_224 : i32
        %select_n3A_226 = arith.select %and3A_223, %sub3A_225, %div3A_204 : i32
        %mul3A_227 = arith.constant 50 : i32
        %mul3A_228 = arith.muli %select_n3A_226, %mul3A_227 : i32
        %sub3A_229 = arith.subi %add3A_202, %mul3A_228 : i32
        %dma_start3A_230 = arith.constant 0 : i32
        %dma_start3A_231 = tpu.memref_slice %arg5[%sub3A_229, %select_n3A_226, %dma_start3A_230] : memref<50x4x128xi32, #tpu.memory_space<vmem>> -> memref<1x1x128xi32, #tpu.memory_space<vmem>>
        %dma_start3A_232 = tpu.memref_squeeze %dma_start3A_231 : memref<1x1x128xi32, #tpu.memory_space<vmem>> -> memref<128xi32, #tpu.memory_space<vmem>>
        %dma_start3A_233 = arith.constant 0 : i32
        %dma_start3A_234 = arith.constant 0 : i32
        %dma_start3A_235 = tpu.memref_slice %arg3[%dma_start3A_233, %dma_start3A_234] : memref<1000000x64xf32, #tpu.memory_space<hbm>> -> memref<1000000x64xf32, #tpu.memory_space<hbm>>
        tpu.enqueue_indirect_dma source(%dma_start3A_235 : memref<1000000x64xf32, #tpu.memory_space<hbm>>) target(%arg7 : memref<128x64xf32, #tpu.memory_space<vmem>>) offsets(%dma_start3A_232 : memref<128xi32, #tpu.memory_space<vmem>>) semaphore(%arg11 : memref<!tpu.dma_semaphore, #tpu.memory_space<semaphore_mem>>)
      } else {
      }
      %dma_wait3A_48 = arith.constant 0 : i32
      %dma_wait3A_49 = arith.constant 0 : i32
      %dma_wait3A_50 = arith.constant 0 : i32
      %dma_wait3A_51 = tpu.memref_slice %arg5[%dma_wait3A_48, %dma_wait3A_49, %dma_wait3A_50] : memref<50x4x128xi32, #tpu.memory_space<vmem>> -> memref<1x1x128xi32, #tpu.memory_space<vmem>>
      %dma_wait3A_52 = tpu.memref_squeeze %dma_wait3A_51 : memref<1x1x128xi32, #tpu.memory_space<vmem>> -> memref<128xi32, #tpu.memory_space<vmem>>
      %dma_wait3A_53 = arith.constant 0 : i32
      %dma_wait3A_54 = arith.constant 0 : i32
      %dma_wait3A_55 = tpu.memref_slice %arg3[%dma_wait3A_53, %dma_wait3A_54] : memref<1000000x64xf32, #tpu.memory_space<hbm>> -> memref<1000000x64xf32, #tpu.memory_space<hbm>>
      tpu.wait_indirect_dma semaphore(%arg10 : memref<!tpu.dma_semaphore, #tpu.memory_space<semaphore_mem>>) src(%dma_wait3A_55 : memref<1000000x64xf32, #tpu.memory_space<hbm>>) dst(%arg6 : memref<128x64xf32, #tpu.memory_space<vmem>>)
      %ge3A = arith.constant 2 : i32
      %ge3A_56 = arith.cmpi sge, %add3A_43, %ge3A : i32
      %convert_element_type3A_57 = arith.extui %ge3A_56 : i1 to i32
      %cond3A_58 = arith.constant 0 : i32
      %cond3A_59 = arith.cmpi ne, %convert_element_type3A_57, %cond3A_58 : i32
      scf.if %cond3A_59 {
        %sub3A_201 = arith.constant 2 : i32
        %sub3A_202 = arith.subi %add3A_43, %sub3A_201 : i32
        %jit3A_203 = arith.constant 50 : i32
        %div3A_204 = arith.divsi %sub3A_202, %jit3A_203 : i32
        %sign3A_205 = arith.constant 0 : i32
        %sign3A_206 = arith.cmpi sgt, %sub3A_202, %sign3A_205 : i32
        %sign3A_207 = arith.extui %sign3A_206 : i1 to i32
        %sign3A_208 = arith.constant 0 : i32
        %sign3A_209 = arith.cmpi slt, %sub3A_202, %sign3A_208 : i32
        %sign3A_210 = arith.extui %sign3A_209 : i1 to i32
        %sign3A_211 = arith.subi %sign3A_207, %sign3A_210 : i32
        %sign3A_212 = arith.constant 0 : i32
        %sign3A_213 = arith.cmpi sgt, %jit3A_203, %sign3A_212 : i32
        %sign3A_214 = arith.extui %sign3A_213 : i1 to i32
        %sign3A_215 = arith.constant 0 : i32
        %sign3A_216 = arith.cmpi slt, %jit3A_203, %sign3A_215 : i32
        %sign3A_217 = arith.extui %sign3A_216 : i1 to i32
        %sign3A_218 = arith.subi %sign3A_214, %sign3A_217 : i32
        %ne3A_219 = arith.cmpi ne, %sign3A_211, %sign3A_218 : i32
        %rem3A_220 = arith.remsi %sub3A_202, %jit3A_203 : i32
        %ne3A_221 = arith.constant 0 : i32
        %ne3A_222 = arith.cmpi ne, %rem3A_220, %ne3A_221 : i32
        %and3A_223 = arith.andi %ne3A_219, %ne3A_222 : i1
        %sub3A_224 = arith.constant 1 : i32
        %sub3A_225 = arith.subi %div3A_204, %sub3A_224 : i32
        %select_n3A_226 = arith.select %and3A_223, %sub3A_225, %div3A_204 : i32
        %mul3A_227 = arith.constant 50 : i32
        %mul3A_228 = arith.muli %select_n3A_226, %mul3A_227 : i32
        %sub3A_229 = arith.subi %sub3A_202, %mul3A_228 : i32
        %jit3A_230 = arith.constant 8 : i32
        %div3A_231 = arith.divsi %sub3A_229, %jit3A_230 : i32
        %sign3A_232 = arith.constant 0 : i32
        %sign3A_233 = arith.cmpi sgt, %sub3A_229, %sign3A_232 : i32
        %sign3A_234 = arith.extui %sign3A_233 : i1 to i32
        %sign3A_235 = arith.constant 0 : i32
        %sign3A_236 = arith.cmpi slt, %sub3A_229, %sign3A_235 : i32
        %sign3A_237 = arith.extui %sign3A_236 : i1 to i32
        %sign3A_238 = arith.subi %sign3A_234, %sign3A_237 : i32
        %sign3A_239 = arith.constant 0 : i32
        %sign3A_240 = arith.cmpi sgt, %jit3A_230, %sign3A_239 : i32
        %sign3A_241 = arith.extui %sign3A_240 : i1 to i32
        %sign3A_242 = arith.constant 0 : i32
        %sign3A_243 = arith.cmpi slt, %jit3A_230, %sign3A_242 : i32
        %sign3A_244 = arith.extui %sign3A_243 : i1 to i32
        %sign3A_245 = arith.subi %sign3A_241, %sign3A_244 : i32
        %ne3A_246 = arith.cmpi ne, %sign3A_238, %sign3A_245 : i32
        %rem3A_247 = arith.remsi %sub3A_229, %jit3A_230 : i32
        %ne3A_248 = arith.constant 0 : i32
        %ne3A_249 = arith.cmpi ne, %rem3A_247, %ne3A_248 : i32
        %and3A_250 = arith.andi %ne3A_246, %ne3A_249 : i1
        %sub3A_251 = arith.constant 1 : i32
        %sub3A_252 = arith.subi %div3A_231, %sub3A_251 : i32
        %select_n3A_253 = arith.select %and3A_250, %sub3A_252, %div3A_231 : i32
        %mul3A_254 = arith.constant 8 : i32
        %mul3A_255 = arith.muli %select_n3A_253, %mul3A_254 : i32
        %sub3A_256 = arith.subi %sub3A_229, %mul3A_255 : i32
        %add3A_257 = arith.addi %mul3A_2, %select_n3A_226 : i32
        %mul3A_258 = arith.constant 128 : i32
        %mul3A_259 = arith.muli %add3A_257, %mul3A_258 : i32
        %dma_wait3A_260 = arith.constant 0 : i32
        %dma_wait3A_261 = tpu.memref_slice %arg4[%mul3A_259, %select_n3A_253, %sub3A_256, %dma_wait3A_260] : memref<16384x7x8x128xf32, #tpu.memory_space<hbm>> -> memref<128x1x1x64xf32, #tpu.memory_space<hbm>>
        %dma_wait3A_262 = arith.constant 0 : i32
        %dma_wait3A_263 = tpu.memref_slice %arg4[%mul3A_259, %select_n3A_253, %sub3A_256, %dma_wait3A_262] : memref<16384x7x8x128xf32, #tpu.memory_space<hbm>> -> memref<128x1x1x64xf32, #tpu.memory_space<hbm>>
        tpu.wait_dma2 semaphore(%arg12 : memref<!tpu.dma_semaphore, #tpu.memory_space<semaphore_mem>>) src(%arg8 : memref<128x1x1x64xf32, #tpu.memory_space<vmem>>) dst(%dma_wait3A_263 : memref<128x1x1x64xf32, #tpu.memory_space<hbm>>)
      } else {
      }
      %parallel_loop3A = arith.constant 0 : i32
      %parallel_loop3A_60 = arith.constant 128 : i32
      %parallel_loop3A_61 = arith.constant 1 : i32
      scf.for %parallel_loop3A_201 = %parallel_loop3A to %parallel_loop3A_60 step %parallel_loop3A_61  : i32 {
        %parallel_loop3A_202 = arith.index_cast %parallel_loop3A_201 : i32 to index
        %parallel_loop3A_203 = arith.constant 0 : index
        %parallel_loop3A_204 = tpu.vector_load %arg6[%parallel_loop3A_202, %parallel_loop3A_203] {strides = array<i32>} : memref<128x64xf32, #tpu.memory_space<vmem>>, vector<1x16xf32>,
        %parallel_loop3A_205 = vector.shape_cast %parallel_loop3A_204 : vector<1x16xf32> to vector<16xf32>
        %parallel_loop3A_206 = arith.constant 8.000000e+00 : f32
        %parallel_loop3A_207 = vector.broadcast %parallel_loop3A_206 : f32 to vector<16xf32>
        %parallel_loop3A_208 = arith.mulf %parallel_loop3A_205, %parallel_loop3A_207 : vector<16xf32>
        %parallel_loop3A_209 = arith.constant 0 : i32
        %parallel_loop3A_210 = arith.constant 0 : i32
        %parallel_loop3A_211 = arith.index_cast %parallel_loop3A_201 : i32 to index
        %parallel_loop3A_212 = arith.index_cast %parallel_loop3A_209 : i32 to index
        %parallel_loop3A_213 = arith.index_cast %parallel_loop3A_210 : i32 to index
        %parallel_loop3A_214 = arith.constant 0 : index
        %parallel_loop3A_215 = tpu.vector_load %arg8[%parallel_loop3A_211, %parallel_loop3A_212, %parallel_loop3A_213, %parallel_loop3A_214] {strides = array<i32>} : memref<128x1x1x64xf32, #tpu.memory_space<vmem>>, vector<1x1x1x16xf32>,
        %parallel_loop3A_216 = vector.shape_cast %parallel_loop3A_215 : vector<1x1x1x16xf32> to vector<16xf32>
        %parallel_loop3A_217 = vector.shape_cast %parallel_loop3A_208 : vector<16xf32> to vector<1x1x1x16xf32>
        tpu.vector_store %arg8[%parallel_loop3A_211, %parallel_loop3A_212, %parallel_loop3A_213, %parallel_loop3A_214], %parallel_loop3A_217 {strides = array<i32>} : memref<128x1x1x64xf32, #tpu.memory_space<vmem>>, vector<1x1x1x16xf32>,
        %parallel_loop3A_218 = arith.index_cast %parallel_loop3A_201 : i32 to index
        %parallel_loop3A_219 = arith.constant 16 : index
        %parallel_loop3A_220 = tpu.vector_load %arg6[%parallel_loop3A_218, %parallel_loop3A_219] {strides = array<i32>} : memref<128x64xf32, #tpu.memory_space<vmem>>, vector<1x16xf32>,
        %parallel_loop3A_221 = vector.shape_cast %parallel_loop3A_220 : vector<1x16xf32> to vector<16xf32>
        %parallel_loop3A_222 = arith.constant 8.000000e+00 : f32
        %parallel_loop3A_223 = vector.broadcast %parallel_loop3A_222 : f32 to vector<16xf32>
        %parallel_loop3A_224 = arith.mulf %parallel_loop3A_221, %parallel_loop3A_223 : vector<16xf32>
        %parallel_loop3A_225 = arith.constant 0 : i32
        %parallel_loop3A_226 = arith.constant 0 : i32
        %parallel_loop3A_227 = arith.index_cast %parallel_loop3A_201 : i32 to index
        %parallel_loop3A_228 = arith.index_cast %parallel_loop3A_225 : i32 to index
        %parallel_loop3A_229 = arith.index_cast %parallel_loop3A_226 : i32 to index
        %parallel_loop3A_230 = arith.constant 16 : index
        %parallel_loop3A_231 = tpu.vector_load %arg8[%parallel_loop3A_227, %parallel_loop3A_228, %parallel_loop3A_229, %parallel_loop3A_230] {strides = array<i32>} : memref<128x1x1x64xf32, #tpu.memory_space<vmem>>, vector<1x1x1x16xf32>,
        %parallel_loop3A_232 = vector.shape_cast %parallel_loop3A_231 : vector<1x1x1x16xf32> to vector<16xf32>
        %parallel_loop3A_233 = vector.shape_cast %parallel_loop3A_224 : vector<16xf32> to vector<1x1x1x16xf32>
        tpu.vector_store %arg8[%parallel_loop3A_227, %parallel_loop3A_228, %parallel_loop3A_229, %parallel_loop3A_230], %parallel_loop3A_233 {strides = array<i32>} : memref<128x1x1x64xf32, #tpu.memory_space<vmem>>, vector<1x1x1x16xf32>,
        %parallel_loop3A_234 = arith.index_cast %parallel_loop3A_201 : i32 to index
        %parallel_loop3A_235 = arith.constant 32 : index
        %parallel_loop3A_236 = tpu.vector_load %arg6[%parallel_loop3A_234, %parallel_loop3A_235] {strides = array<i32>} : memref<128x64xf32, #tpu.memory_space<vmem>>, vector<1x16xf32>,
        %parallel_loop3A_237 = vector.shape_cast %parallel_loop3A_236 : vector<1x16xf32> to vector<16xf32>
        %parallel_loop3A_238 = arith.constant 8.000000e+00 : f32
        %parallel_loop3A_239 = vector.broadcast %parallel_loop3A_238 : f32 to vector<16xf32>
        %parallel_loop3A_240 = arith.mulf %parallel_loop3A_237, %parallel_loop3A_239 : vector<16xf32>
        %parallel_loop3A_241 = arith.constant 0 : i32
        %parallel_loop3A_242 = arith.constant 0 : i32
        %parallel_loop3A_243 = arith.index_cast %parallel_loop3A_201 : i32 to index
        %parallel_loop3A_244 = arith.index_cast %parallel_loop3A_241 : i32 to index
        %parallel_loop3A_245 = arith.index_cast %parallel_loop3A_242 : i32 to index
        %parallel_loop3A_246 = arith.constant 32 : index
        %parallel_loop3A_247 = tpu.vector_load %arg8[%parallel_loop3A_243, %parallel_loop3A_244, %parallel_loop3A_245, %parallel_loop3A_246] {strides = array<i32>} : memref<128x1x1x64xf32, #tpu.memory_space<vmem>>, vector<1x1x1x16xf32>,
        %parallel_loop3A_248 = vector.shape_cast %parallel_loop3A_247 : vector<1x1x1x16xf32> to vector<16xf32>
        %parallel_loop3A_249 = vector.shape_cast %parallel_loop3A_240 : vector<16xf32> to vector<1x1x1x16xf32>
        tpu.vector_store %arg8[%parallel_loop3A_243, %parallel_loop3A_244, %parallel_loop3A_245, %parallel_loop3A_246], %parallel_loop3A_249 {strides = array<i32>} : memref<128x1x1x64xf32, #tpu.memory_space<vmem>>, vector<1x1x1x16xf32>,
        %parallel_loop3A_250 = arith.index_cast %parallel_loop3A_201 : i32 to index
        %parallel_loop3A_251 = arith.constant 48 : index
        %parallel_loop3A_252 = tpu.vector_load %arg6[%parallel_loop3A_250, %parallel_loop3A_251] {strides = array<i32>} : memref<128x64xf32, #tpu.memory_space<vmem>>, vector<1x16xf32>,
        %parallel_loop3A_253 = vector.shape_cast %parallel_loop3A_252 : vector<1x16xf32> to vector<16xf32>
        %parallel_loop3A_254 = arith.constant 8.000000e+00 : f32
        %parallel_loop3A_255 = vector.broadcast %parallel_loop3A_254 : f32 to vector<16xf32>
        %parallel_loop3A_256 = arith.mulf %parallel_loop3A_253, %parallel_loop3A_255 : vector<16xf32>
        %parallel_loop3A_257 = arith.constant 0 : i32
        %parallel_loop3A_258 = arith.constant 0 : i32
        %parallel_loop3A_259 = arith.index_cast %parallel_loop3A_201 : i32 to index
        %parallel_loop3A_260 = arith.index_cast %parallel_loop3A_257 : i32 to index
        %parallel_loop3A_261 = arith.index_cast %parallel_loop3A_258 : i32 to index
        %parallel_loop3A_262 = arith.constant 48 : index
        %parallel_loop3A_263 = tpu.vector_load %arg8[%parallel_loop3A_259, %parallel_loop3A_260, %parallel_loop3A_261, %parallel_loop3A_262] {strides = array<i32>} : memref<128x1x1x64xf32, #tpu.memory_space<vmem>>, vector<1x1x1x16xf32>,
        %parallel_loop3A_264 = vector.shape_cast %parallel_loop3A_263 : vector<1x1x1x16xf32> to vector<16xf32>
        %parallel_loop3A_265 = vector.shape_cast %parallel_loop3A_256 : vector<16xf32> to vector<1x1x1x16xf32>
        tpu.vector_store %arg8[%parallel_loop3A_259, %parallel_loop3A_260, %parallel_loop3A_261, %parallel_loop3A_262], %parallel_loop3A_265 {strides = array<i32>} : memref<128x1x1x64xf32, #tpu.memory_space<vmem>>, vector<1x1x1x16xf32>,
      } {sc.loop_unroll_factor = 2 : i64, sc.parallel_access}
      %jit3A = arith.constant 50 : i32
      %div3A = arith.divsi %add3A_43, %jit3A : i32
      %sign3A = arith.constant 0 : i32
      %sign3A_62 = arith.cmpi sgt, %add3A_43, %sign3A : i32
      %sign3A_63 = arith.extui %sign3A_62 : i1 to i32
      %sign3A_64 = arith.constant 0 : i32
      %sign3A_65 = arith.cmpi slt, %add3A_43, %sign3A_64 : i32
      %sign3A_66 = arith.extui %sign3A_65 : i1 to i32
      %sign3A_67 = arith.subi %sign3A_63, %sign3A_66 : i32
      %sign3A_68 = arith.constant 0 : i32
      %sign3A_69 = arith.cmpi sgt, %jit3A, %sign3A_68 : i32
      %sign3A_70 = arith.extui %sign3A_69 : i1 to i32
      %sign3A_71 = arith.constant 0 : i32
      %sign3A_72 = arith.cmpi slt, %jit3A, %sign3A_71 : i32
      %sign3A_73 = arith.extui %sign3A_72 : i1 to i32
      %sign3A_74 = arith.subi %sign3A_70, %sign3A_73 : i32
      %ne3A = arith.cmpi ne, %sign3A_67, %sign3A_74 : i32
      %rem3A = arith.remsi %add3A_43, %jit3A : i32
      %ne3A_75 = arith.constant 0 : i32
      %ne3A_76 = arith.cmpi ne, %rem3A, %ne3A_75 : i32
      %and3A = arith.andi %ne3A, %ne3A_76 : i1
      %sub3A = arith.constant 1 : i32
      %sub3A_77 = arith.subi %div3A, %sub3A : i32
      %select_n3A = arith.select %and3A, %sub3A_77, %div3A : i32
      %mul3A_78 = arith.constant 50 : i32
      %mul3A_79 = arith.muli %select_n3A, %mul3A_78 : i32
      %sub3A_80 = arith.subi %add3A_43, %mul3A_79 : i32
      %jit3A_81 = arith.constant 8 : i32
      %div3A_82 = arith.divsi %sub3A_80, %jit3A_81 : i32
      %sign3A_83 = arith.constant 0 : i32
      %sign3A_84 = arith.cmpi sgt, %sub3A_80, %sign3A_83 : i32
      %sign3A_85 = arith.extui %sign3A_84 : i1 to i32
      %sign3A_86 = arith.constant 0 : i32
      %sign3A_87 = arith.cmpi slt, %sub3A_80, %sign3A_86 : i32
      %sign3A_88 = arith.extui %sign3A_87 : i1 to i32
      %sign3A_89 = arith.subi %sign3A_85, %sign3A_88 : i32
      %sign3A_90 = arith.constant 0 : i32
      %sign3A_91 = arith.cmpi sgt, %jit3A_81, %sign3A_90 : i32
      %sign3A_92 = arith.extui %sign3A_91 : i1 to i32
      %sign3A_93 = arith.constant 0 : i32
      %sign3A_94 = arith.cmpi slt, %jit3A_81, %sign3A_93 : i32
      %sign3A_95 = arith.extui %sign3A_94 : i1 to i32
      %sign3A_96 = arith.subi %sign3A_92, %sign3A_95 : i32
      %ne3A_97 = arith.cmpi ne, %sign3A_89, %sign3A_96 : i32
      %rem3A_98 = arith.remsi %sub3A_80, %jit3A_81 : i32
      %ne3A_99 = arith.constant 0 : i32
      %ne3A_100 = arith.cmpi ne, %rem3A_98, %ne3A_99 : i32
      %and3A_101 = arith.andi %ne3A_97, %ne3A_100 : i1
      %sub3A_102 = arith.constant 1 : i32
      %sub3A_103 = arith.subi %div3A_82, %sub3A_102 : i32
      %select_n3A_104 = arith.select %and3A_101, %sub3A_103, %div3A_82 : i32
      %mul3A_105 = arith.constant 8 : i32
      %mul3A_106 = arith.muli %select_n3A_104, %mul3A_105 : i32
      %sub3A_107 = arith.subi %sub3A_80, %mul3A_106 : i32
      %add3A_108 = arith.addi %mul3A_2, %select_n3A : i32
      %mul3A_109 = arith.constant 128 : i32
      %mul3A_110 = arith.muli %add3A_108, %mul3A_109 : i32
      %dma_start3A_111 = arith.constant 0 : i32
      %dma_start3A_112 = tpu.memref_slice %arg4[%mul3A_110, %select_n3A_104, %sub3A_107, %dma_start3A_111] : memref<16384x7x8x128xf32, #tpu.memory_space<hbm>> -> memref<128x1x1x64xf32, #tpu.memory_space<hbm>>
      %dma_start3A_113 = arith.constant 0 : i32
      %dma_start3A_114 = tpu.memref_slice %arg4[%mul3A_110, %select_n3A_104, %sub3A_107, %dma_start3A_113] : memref<16384x7x8x128xf32, #tpu.memory_space<hbm>> -> memref<128x1x1x64xf32, #tpu.memory_space<hbm>>
      tpu.enqueue_dma source(%arg8 : memref<128x1x1x64xf32, #tpu.memory_space<vmem>>) target(%dma_start3A_114 : memref<128x1x1x64xf32, #tpu.memory_space<hbm>>) target_semaphore(%arg12 : memref<!tpu.dma_semaphore, #tpu.memory_space<semaphore_mem>>)
      %add3A_115 = arith.constant 1 : i32
      %add3A_116 = arith.addi %add3A_41, %add3A_115 : i32
      %add3A_117 = arith.constant 1 : i32
      %add3A_118 = arith.addi %add3A_116, %add3A_117 : i32
      %lt3A_119 = arith.constant 200 : i32
      %lt3A_120 = arith.cmpi slt, %add3A_118, %lt3A_119 : i32
      %convert_element_type3A_121 = arith.extui %lt3A_120 : i1 to i32
      %cond3A_122 = arith.constant 0 : i32
      %cond3A_123 = arith.cmpi ne, %convert_element_type3A_121, %cond3A_122 : i32
      scf.if %cond3A_123 {
        %add3A_201 = arith.constant 1 : i32
        %add3A_202 = arith.addi %add3A_116, %add3A_201 : i32
        %jit3A_203 = arith.constant 50 : i32
        %div3A_204 = arith.divsi %add3A_202, %jit3A_203 : i32
        %sign3A_205 = arith.constant 0 : i32
        %sign3A_206 = arith.cmpi sgt, %add3A_202, %sign3A_205 : i32
        %sign3A_207 = arith.extui %sign3A_206 : i1 to i32
        %sign3A_208 = arith.constant 0 : i32
        %sign3A_209 = arith.cmpi slt, %add3A_202, %sign3A_208 : i32
        %sign3A_210 = arith.extui %sign3A_209 : i1 to i32
        %sign3A_211 = arith.subi %sign3A_207, %sign3A_210 : i32
        %sign3A_212 = arith.constant 0 : i32
        %sign3A_213 = arith.cmpi sgt, %jit3A_203, %sign3A_212 : i32
        %sign3A_214 = arith.extui %sign3A_213 : i1 to i32
        %sign3A_215 = arith.constant 0 : i32
        %sign3A_216 = arith.cmpi slt, %jit3A_203, %sign3A_215 : i32
        %sign3A_217 = arith.extui %sign3A_216 : i1 to i32
        %sign3A_218 = arith.subi %sign3A_214, %sign3A_217 : i32
        %ne3A_219 = arith.cmpi ne, %sign3A_211, %sign3A_218 : i32
        %rem3A_220 = arith.remsi %add3A_202, %jit3A_203 : i32
        %ne3A_221 = arith.constant 0 : i32
        %ne3A_222 = arith.cmpi ne, %rem3A_220, %ne3A_221 : i32
        %and3A_223 = arith.andi %ne3A_219, %ne3A_222 : i1
        %sub3A_224 = arith.constant 1 : i32
        %sub3A_225 = arith.subi %div3A_204, %sub3A_224 : i32
        %select_n3A_226 = arith.select %and3A_223, %sub3A_225, %div3A_204 : i32
        %mul3A_227 = arith.constant 50 : i32
        %mul3A_228 = arith.muli %select_n3A_226, %mul3A_227 : i32
        %sub3A_229 = arith.subi %add3A_202, %mul3A_228 : i32
        %dma_start3A_230 = arith.constant 0 : i32
        %dma_start3A_231 = tpu.memref_slice %arg5[%sub3A_229, %select_n3A_226, %dma_start3A_230] : memref<50x4x128xi32, #tpu.memory_space<vmem>> -> memref<1x1x128xi32, #tpu.memory_space<vmem>>
        %dma_start3A_232 = tpu.memref_squeeze %dma_start3A_231 : memref<1x1x128xi32, #tpu.memory_space<vmem>> -> memref<128xi32, #tpu.memory_space<vmem>>
        %dma_start3A_233 = arith.constant 0 : i32
        %dma_start3A_234 = arith.constant 0 : i32
        %dma_start3A_235 = tpu.memref_slice %arg3[%dma_start3A_233, %dma_start3A_234] : memref<1000000x64xf32, #tpu.memory_space<hbm>> -> memref<1000000x64xf32, #tpu.memory_space<hbm>>
        tpu.enqueue_indirect_dma source(%dma_start3A_235 : memref<1000000x64xf32, #tpu.memory_space<hbm>>) target(%arg6 : memref<128x64xf32, #tpu.memory_space<vmem>>) offsets(%dma_start3A_232 : memref<128xi32, #tpu.memory_space<vmem>>) semaphore(%arg10 : memref<!tpu.dma_semaphore, #tpu.memory_space<semaphore_mem>>)
      } else {
      }
      %dma_wait3A_124 = arith.constant 0 : i32
      %dma_wait3A_125 = arith.constant 0 : i32
      %dma_wait3A_126 = arith.constant 0 : i32
      %dma_wait3A_127 = tpu.memref_slice %arg5[%dma_wait3A_124, %dma_wait3A_125, %dma_wait3A_126] : memref<50x4x128xi32, #tpu.memory_space<vmem>> -> memref<1x1x128xi32, #tpu.memory_space<vmem>>
      %dma_wait3A_128 = tpu.memref_squeeze %dma_wait3A_127 : memref<1x1x128xi32, #tpu.memory_space<vmem>> -> memref<128xi32, #tpu.memory_space<vmem>>
      %dma_wait3A_129 = arith.constant 0 : i32
      %dma_wait3A_130 = arith.constant 0 : i32
      %dma_wait3A_131 = tpu.memref_slice %arg3[%dma_wait3A_129, %dma_wait3A_130] : memref<1000000x64xf32, #tpu.memory_space<hbm>> -> memref<1000000x64xf32, #tpu.memory_space<hbm>>
      tpu.wait_indirect_dma semaphore(%arg11 : memref<!tpu.dma_semaphore, #tpu.memory_space<semaphore_mem>>) src(%dma_wait3A_131 : memref<1000000x64xf32, #tpu.memory_space<hbm>>) dst(%arg7 : memref<128x64xf32, #tpu.memory_space<vmem>>)
      %ge3A_132 = arith.constant 2 : i32
      %ge3A_133 = arith.cmpi sge, %add3A_116, %ge3A_132 : i32
      %convert_element_type3A_134 = arith.extui %ge3A_133 : i1 to i32
      %cond3A_135 = arith.constant 0 : i32
      %cond3A_136 = arith.cmpi ne, %convert_element_type3A_134, %cond3A_135 : i32
      scf.if %cond3A_136 {
        %sub3A_201 = arith.constant 2 : i32
        %sub3A_202 = arith.subi %add3A_116, %sub3A_201 : i32
        %jit3A_203 = arith.constant 50 : i32
        %div3A_204 = arith.divsi %sub3A_202, %jit3A_203 : i32
        %sign3A_205 = arith.constant 0 : i32
        %sign3A_206 = arith.cmpi sgt, %sub3A_202, %sign3A_205 : i32
        %sign3A_207 = arith.extui %sign3A_206 : i1 to i32
        %sign3A_208 = arith.constant 0 : i32
        %sign3A_209 = arith.cmpi slt, %sub3A_202, %sign3A_208 : i32
        %sign3A_210 = arith.extui %sign3A_209 : i1 to i32
        %sign3A_211 = arith.subi %sign3A_207, %sign3A_210 : i32
        %sign3A_212 = arith.constant 0 : i32
        %sign3A_213 = arith.cmpi sgt, %jit3A_203, %sign3A_212 : i32
        %sign3A_214 = arith.extui %sign3A_213 : i1 to i32
        %sign3A_215 = arith.constant 0 : i32
        %sign3A_216 = arith.cmpi slt, %jit3A_203, %sign3A_215 : i32
        %sign3A_217 = arith.extui %sign3A_216 : i1 to i32
        %sign3A_218 = arith.subi %sign3A_214, %sign3A_217 : i32
        %ne3A_219 = arith.cmpi ne, %sign3A_211, %sign3A_218 : i32
        %rem3A_220 = arith.remsi %sub3A_202, %jit3A_203 : i32
        %ne3A_221 = arith.constant 0 : i32
        %ne3A_222 = arith.cmpi ne, %rem3A_220, %ne3A_221 : i32
        %and3A_223 = arith.andi %ne3A_219, %ne3A_222 : i1
        %sub3A_224 = arith.constant 1 : i32
        %sub3A_225 = arith.subi %div3A_204, %sub3A_224 : i32
        %select_n3A_226 = arith.select %and3A_223, %sub3A_225, %div3A_204 : i32
        %mul3A_227 = arith.constant 50 : i32
        %mul3A_228 = arith.muli %select_n3A_226, %mul3A_227 : i32
        %sub3A_229 = arith.subi %sub3A_202, %mul3A_228 : i32
        %jit3A_230 = arith.constant 8 : i32
        %div3A_231 = arith.divsi %sub3A_229, %jit3A_230 : i32
        %sign3A_232 = arith.constant 0 : i32
        %sign3A_233 = arith.cmpi sgt, %sub3A_229, %sign3A_232 : i32
        %sign3A_234 = arith.extui %sign3A_233 : i1 to i32
        %sign3A_235 = arith.constant 0 : i32
        %sign3A_236 = arith.cmpi slt, %sub3A_229, %sign3A_235 : i32
        %sign3A_237 = arith.extui %sign3A_236 : i1 to i32
        %sign3A_238 = arith.subi %sign3A_234, %sign3A_237 : i32
        %sign3A_239 = arith.constant 0 : i32
        %sign3A_240 = arith.cmpi sgt, %jit3A_230, %sign3A_239 : i32
        %sign3A_241 = arith.extui %sign3A_240 : i1 to i32
        %sign3A_242 = arith.constant 0 : i32
        %sign3A_243 = arith.cmpi slt, %jit3A_230, %sign3A_242 : i32
        %sign3A_244 = arith.extui %sign3A_243 : i1 to i32
        %sign3A_245 = arith.subi %sign3A_241, %sign3A_244 : i32
        %ne3A_246 = arith.cmpi ne, %sign3A_238, %sign3A_245 : i32
        %rem3A_247 = arith.remsi %sub3A_229, %jit3A_230 : i32
        %ne3A_248 = arith.constant 0 : i32
        %ne3A_249 = arith.cmpi ne, %rem3A_247, %ne3A_248 : i32
        %and3A_250 = arith.andi %ne3A_246, %ne3A_249 : i1
        %sub3A_251 = arith.constant 1 : i32
        %sub3A_252 = arith.subi %div3A_231, %sub3A_251 : i32
        %select_n3A_253 = arith.select %and3A_250, %sub3A_252, %div3A_231 : i32
        %mul3A_254 = arith.constant 8 : i32
        %mul3A_255 = arith.muli %select_n3A_253, %mul3A_254 : i32
        %sub3A_256 = arith.subi %sub3A_229, %mul3A_255 : i32
        %add3A_257 = arith.addi %mul3A_2, %select_n3A_226 : i32
        %mul3A_258 = arith.constant 128 : i32
        %mul3A_259 = arith.muli %add3A_257, %mul3A_258 : i32
        %dma_wait3A_260 = arith.constant 0 : i32
        %dma_wait3A_261 = tpu.memref_slice %arg4[%mul3A_259, %select_n3A_253, %sub3A_256, %dma_wait3A_260] : memref<16384x7x8x128xf32, #tpu.memory_space<hbm>> -> memref<128x1x1x64xf32, #tpu.memory_space<hbm>>
        %dma_wait3A_262 = arith.constant 0 : i32
        %dma_wait3A_263 = tpu.memref_slice %arg4[%mul3A_259, %select_n3A_253, %sub3A_256, %dma_wait3A_262] : memref<16384x7x8x128xf32, #tpu.memory_space<hbm>> -> memref<128x1x1x64xf32, #tpu.memory_space<hbm>>
        tpu.wait_dma2 semaphore(%arg13 : memref<!tpu.dma_semaphore, #tpu.memory_space<semaphore_mem>>) src(%arg9 : memref<128x1x1x64xf32, #tpu.memory_space<vmem>>) dst(%dma_wait3A_263 : memref<128x1x1x64xf32, #tpu.memory_space<hbm>>)
      } else {
      }
      %parallel_loop3A_137 = arith.constant 0 : i32
      %parallel_loop3A_138 = arith.constant 128 : i32
      %parallel_loop3A_139 = arith.constant 1 : i32
      scf.for %parallel_loop3A_201 = %parallel_loop3A_137 to %parallel_loop3A_138 step %parallel_loop3A_139  : i32 {
        %parallel_loop3A_202 = arith.index_cast %parallel_loop3A_201 : i32 to index
        %parallel_loop3A_203 = arith.constant 0 : index
        %parallel_loop3A_204 = tpu.vector_load %arg7[%parallel_loop3A_202, %parallel_loop3A_203] {strides = array<i32>} : memref<128x64xf32, #tpu.memory_space<vmem>>, vector<1x16xf32>,
        %parallel_loop3A_205 = vector.shape_cast %parallel_loop3A_204 : vector<1x16xf32> to vector<16xf32>
        %parallel_loop3A_206 = arith.constant 8.000000e+00 : f32
        %parallel_loop3A_207 = vector.broadcast %parallel_loop3A_206 : f32 to vector<16xf32>
        %parallel_loop3A_208 = arith.mulf %parallel_loop3A_205, %parallel_loop3A_207 : vector<16xf32>
        %parallel_loop3A_209 = arith.constant 0 : i32
        %parallel_loop3A_210 = arith.constant 0 : i32
        %parallel_loop3A_211 = arith.index_cast %parallel_loop3A_201 : i32 to index
        %parallel_loop3A_212 = arith.index_cast %parallel_loop3A_209 : i32 to index
        %parallel_loop3A_213 = arith.index_cast %parallel_loop3A_210 : i32 to index
        %parallel_loop3A_214 = arith.constant 0 : index
        %parallel_loop3A_215 = tpu.vector_load %arg9[%parallel_loop3A_211, %parallel_loop3A_212, %parallel_loop3A_213, %parallel_loop3A_214] {strides = array<i32>} : memref<128x1x1x64xf32, #tpu.memory_space<vmem>>, vector<1x1x1x16xf32>,
        %parallel_loop3A_216 = vector.shape_cast %parallel_loop3A_215 : vector<1x1x1x16xf32> to vector<16xf32>
        %parallel_loop3A_217 = vector.shape_cast %parallel_loop3A_208 : vector<16xf32> to vector<1x1x1x16xf32>
        tpu.vector_store %arg9[%parallel_loop3A_211, %parallel_loop3A_212, %parallel_loop3A_213, %parallel_loop3A_214], %parallel_loop3A_217 {strides = array<i32>} : memref<128x1x1x64xf32, #tpu.memory_space<vmem>>, vector<1x1x1x16xf32>,
        %parallel_loop3A_218 = arith.index_cast %parallel_loop3A_201 : i32 to index
        %parallel_loop3A_219 = arith.constant 16 : index
        %parallel_loop3A_220 = tpu.vector_load %arg7[%parallel_loop3A_218, %parallel_loop3A_219] {strides = array<i32>} : memref<128x64xf32, #tpu.memory_space<vmem>>, vector<1x16xf32>,
        %parallel_loop3A_221 = vector.shape_cast %parallel_loop3A_220 : vector<1x16xf32> to vector<16xf32>
        %parallel_loop3A_222 = arith.constant 8.000000e+00 : f32
        %parallel_loop3A_223 = vector.broadcast %parallel_loop3A_222 : f32 to vector<16xf32>
        %parallel_loop3A_224 = arith.mulf %parallel_loop3A_221, %parallel_loop3A_223 : vector<16xf32>
        %parallel_loop3A_225 = arith.constant 0 : i32
        %parallel_loop3A_226 = arith.constant 0 : i32
        %parallel_loop3A_227 = arith.index_cast %parallel_loop3A_201 : i32 to index
        %parallel_loop3A_228 = arith.index_cast %parallel_loop3A_225 : i32 to index
        %parallel_loop3A_229 = arith.index_cast %parallel_loop3A_226 : i32 to index
        %parallel_loop3A_230 = arith.constant 16 : index
        %parallel_loop3A_231 = tpu.vector_load %arg9[%parallel_loop3A_227, %parallel_loop3A_228, %parallel_loop3A_229, %parallel_loop3A_230] {strides = array<i32>} : memref<128x1x1x64xf32, #tpu.memory_space<vmem>>, vector<1x1x1x16xf32>,
        %parallel_loop3A_232 = vector.shape_cast %parallel_loop3A_231 : vector<1x1x1x16xf32> to vector<16xf32>
        %parallel_loop3A_233 = vector.shape_cast %parallel_loop3A_224 : vector<16xf32> to vector<1x1x1x16xf32>
        tpu.vector_store %arg9[%parallel_loop3A_227, %parallel_loop3A_228, %parallel_loop3A_229, %parallel_loop3A_230], %parallel_loop3A_233 {strides = array<i32>} : memref<128x1x1x64xf32, #tpu.memory_space<vmem>>, vector<1x1x1x16xf32>,
        %parallel_loop3A_234 = arith.index_cast %parallel_loop3A_201 : i32 to index
        %parallel_loop3A_235 = arith.constant 32 : index
        %parallel_loop3A_236 = tpu.vector_load %arg7[%parallel_loop3A_234, %parallel_loop3A_235] {strides = array<i32>} : memref<128x64xf32, #tpu.memory_space<vmem>>, vector<1x16xf32>,
        %parallel_loop3A_237 = vector.shape_cast %parallel_loop3A_236 : vector<1x16xf32> to vector<16xf32>
        %parallel_loop3A_238 = arith.constant 8.000000e+00 : f32
        %parallel_loop3A_239 = vector.broadcast %parallel_loop3A_238 : f32 to vector<16xf32>
        %parallel_loop3A_240 = arith.mulf %parallel_loop3A_237, %parallel_loop3A_239 : vector<16xf32>
        %parallel_loop3A_241 = arith.constant 0 : i32
        %parallel_loop3A_242 = arith.constant 0 : i32
        %parallel_loop3A_243 = arith.index_cast %parallel_loop3A_201 : i32 to index
        %parallel_loop3A_244 = arith.index_cast %parallel_loop3A_241 : i32 to index
        %parallel_loop3A_245 = arith.index_cast %parallel_loop3A_242 : i32 to index
        %parallel_loop3A_246 = arith.constant 32 : index
        %parallel_loop3A_247 = tpu.vector_load %arg9[%parallel_loop3A_243, %parallel_loop3A_244, %parallel_loop3A_245, %parallel_loop3A_246] {strides = array<i32>} : memref<128x1x1x64xf32, #tpu.memory_space<vmem>>, vector<1x1x1x16xf32>,
        %parallel_loop3A_248 = vector.shape_cast %parallel_loop3A_247 : vector<1x1x1x16xf32> to vector<16xf32>
        %parallel_loop3A_249 = vector.shape_cast %parallel_loop3A_240 : vector<16xf32> to vector<1x1x1x16xf32>
        tpu.vector_store %arg9[%parallel_loop3A_243, %parallel_loop3A_244, %parallel_loop3A_245, %parallel_loop3A_246], %parallel_loop3A_249 {strides = array<i32>} : memref<128x1x1x64xf32, #tpu.memory_space<vmem>>, vector<1x1x1x16xf32>,
        %parallel_loop3A_250 = arith.index_cast %parallel_loop3A_201 : i32 to index
        %parallel_loop3A_251 = arith.constant 48 : index
        %parallel_loop3A_252 = tpu.vector_load %arg7[%parallel_loop3A_250, %parallel_loop3A_251] {strides = array<i32>} : memref<128x64xf32, #tpu.memory_space<vmem>>, vector<1x16xf32>,
        %parallel_loop3A_253 = vector.shape_cast %parallel_loop3A_252 : vector<1x16xf32> to vector<16xf32>
        %parallel_loop3A_254 = arith.constant 8.000000e+00 : f32
        %parallel_loop3A_255 = vector.broadcast %parallel_loop3A_254 : f32 to vector<16xf32>
        %parallel_loop3A_256 = arith.mulf %parallel_loop3A_253, %parallel_loop3A_255 : vector<16xf32>
        %parallel_loop3A_257 = arith.constant 0 : i32
        %parallel_loop3A_258 = arith.constant 0 : i32
        %parallel_loop3A_259 = arith.index_cast %parallel_loop3A_201 : i32 to index
        %parallel_loop3A_260 = arith.index_cast %parallel_loop3A_257 : i32 to index
        %parallel_loop3A_261 = arith.index_cast %parallel_loop3A_258 : i32 to index
        %parallel_loop3A_262 = arith.constant 48 : index
        %parallel_loop3A_263 = tpu.vector_load %arg9[%parallel_loop3A_259, %parallel_loop3A_260, %parallel_loop3A_261, %parallel_loop3A_262] {strides = array<i32>} : memref<128x1x1x64xf32, #tpu.memory_space<vmem>>, vector<1x1x1x16xf32>,
        %parallel_loop3A_264 = vector.shape_cast %parallel_loop3A_263 : vector<1x1x1x16xf32> to vector<16xf32>
        %parallel_loop3A_265 = vector.shape_cast %parallel_loop3A_256 : vector<16xf32> to vector<1x1x1x16xf32>
        tpu.vector_store %arg9[%parallel_loop3A_259, %parallel_loop3A_260, %parallel_loop3A_261, %parallel_loop3A_262], %parallel_loop3A_265 {strides = array<i32>} : memref<128x1x1x64xf32, #tpu.memory_space<vmem>>, vector<1x1x1x16xf32>,
      } {sc.loop_unroll_factor = 2 : i64, sc.parallel_access}
      %jit3A_140 = arith.constant 50 : i32
      %div3A_141 = arith.divsi %add3A_116, %jit3A_140 : i32
      %sign3A_142 = arith.constant 0 : i32
      %sign3A_143 = arith.cmpi sgt, %add3A_116, %sign3A_142 : i32
      %sign3A_144 = arith.extui %sign3A_143 : i1 to i32
      %sign3A_145 = arith.constant 0 : i32
      %sign3A_146 = arith.cmpi slt, %add3A_116, %sign3A_145 : i32
      %sign3A_147 = arith.extui %sign3A_146 : i1 to i32
      %sign3A_148 = arith.subi %sign3A_144, %sign3A_147 : i32
      %sign3A_149 = arith.constant 0 : i32
      %sign3A_150 = arith.cmpi sgt, %jit3A_140, %sign3A_149 : i32
      %sign3A_151 = arith.extui %sign3A_150 : i1 to i32
      %sign3A_152 = arith.constant 0 : i32
      %sign3A_153 = arith.cmpi slt, %jit3A_140, %sign3A_152 : i32
      %sign3A_154 = arith.extui %sign3A_153 : i1 to i32
      %sign3A_155 = arith.subi %sign3A_151, %sign3A_154 : i32
      %ne3A_156 = arith.cmpi ne, %sign3A_148, %sign3A_155 : i32
      %rem3A_157 = arith.remsi %add3A_116, %jit3A_140 : i32
      %ne3A_158 = arith.constant 0 : i32
      %ne3A_159 = arith.cmpi ne, %rem3A_157, %ne3A_158 : i32
      %and3A_160 = arith.andi %ne3A_156, %ne3A_159 : i1
      %sub3A_161 = arith.constant 1 : i32
      %sub3A_162 = arith.subi %div3A_141, %sub3A_161 : i32
      %select_n3A_163 = arith.select %and3A_160, %sub3A_162, %div3A_141 : i32
      %mul3A_164 = arith.constant 50 : i32
      %mul3A_165 = arith.muli %select_n3A_163, %mul3A_164 : i32
      %sub3A_166 = arith.subi %add3A_116, %mul3A_165 : i32
      %jit3A_167 = arith.constant 8 : i32
      %div3A_168 = arith.divsi %sub3A_166, %jit3A_167 : i32
      %sign3A_169 = arith.constant 0 : i32
      %sign3A_170 = arith.cmpi sgt, %sub3A_166, %sign3A_169 : i32
      %sign3A_171 = arith.extui %sign3A_170 : i1 to i32
      %sign3A_172 = arith.constant 0 : i32
      %sign3A_173 = arith.cmpi slt, %sub3A_166, %sign3A_172 : i32
      %sign3A_174 = arith.extui %sign3A_173 : i1 to i32
      %sign3A_175 = arith.subi %sign3A_171, %sign3A_174 : i32
      %sign3A_176 = arith.constant 0 : i32
      %sign3A_177 = arith.cmpi sgt, %jit3A_167, %sign3A_176 : i32
      %sign3A_178 = arith.extui %sign3A_177 : i1 to i32
      %sign3A_179 = arith.constant 0 : i32
      %sign3A_180 = arith.cmpi slt, %jit3A_167, %sign3A_179 : i32
      %sign3A_181 = arith.extui %sign3A_180 : i1 to i32
      %sign3A_182 = arith.subi %sign3A_178, %sign3A_181 : i32
      %ne3A_183 = arith.cmpi ne, %sign3A_175, %sign3A_182 : i32
      %rem3A_184 = arith.remsi %sub3A_166, %jit3A_167 : i32
      %ne3A_185 = arith.constant 0 : i32
      %ne3A_186 = arith.cmpi ne, %rem3A_184, %ne3A_185 : i32
      %and3A_187 = arith.andi %ne3A_183, %ne3A_186 : i1
      %sub3A_188 = arith.constant 1 : i32
      %sub3A_189 = arith.subi %div3A_168, %sub3A_188 : i32
      %select_n3A_190 = arith.select %and3A_187, %sub3A_189, %div3A_168 : i32
      %mul3A_191 = arith.constant 8 : i32
      %mul3A_192 = arith.muli %select_n3A_190, %mul3A_191 : i32
      %sub3A_193 = arith.subi %sub3A_166, %mul3A_192 : i32
      %add3A_194 = arith.addi %mul3A_2, %select_n3A_163 : i32
      %mul3A_195 = arith.constant 128 : i32
      %mul3A_196 = arith.muli %add3A_194, %mul3A_195 : i32
      %dma_start3A_197 = arith.constant 0 : i32
      %dma_start3A_198 = tpu.memref_slice %arg4[%mul3A_196, %select_n3A_190, %sub3A_193, %dma_start3A_197] : memref<16384x7x8x128xf32, #tpu.memory_space<hbm>> -> memref<128x1x1x64xf32, #tpu.memory_space<hbm>>
      %dma_start3A_199 = arith.constant 0 : i32
      %dma_start3A_200 = tpu.memref_slice %arg4[%mul3A_196, %select_n3A_190, %sub3A_193, %dma_start3A_199] : memref<16384x7x8x128xf32, #tpu.memory_space<hbm>> -> memref<128x1x1x64xf32, #tpu.memory_space<hbm>>
      tpu.enqueue_dma source(%arg9 : memref<128x1x1x64xf32, #tpu.memory_space<vmem>>) target(%dma_start3A_200 : memref<128x1x1x64xf32, #tpu.memory_space<hbm>>) target_semaphore(%arg13 : memref<!tpu.dma_semaphore, #tpu.memory_space<semaphore_mem>>)
    }
    %scan3A_13 = arith.constant 100 : i32
    %add3A_14 = arith.constant 3 : i32
    %add3A_15 = arith.addi %mul3A_2, %add3A_14 : i32
    %mul3A_16 = arith.constant 128 : i32
    %mul3A_17 = arith.muli %add3A_15, %mul3A_16 : i32
    %dma_wait3A = arith.constant 6 : i32
    %dma_wait3A_18 = arith.constant 0 : i32
    %dma_wait3A_19 = arith.constant 0 : i32
    %dma_wait3A_20 = tpu.memref_slice %arg4[%mul3A_17, %dma_wait3A, %dma_wait3A_18, %dma_wait3A_19] : memref<16384x7x8x128xf32, #tpu.memory_space<hbm>> -> memref<128x1x1x64xf32, #tpu.memory_space<hbm>>
    %dma_wait3A_21 = arith.constant 6 : i32
    %dma_wait3A_22 = arith.constant 0 : i32
    %dma_wait3A_23 = arith.constant 0 : i32
    %dma_wait3A_24 = tpu.memref_slice %arg4[%mul3A_17, %dma_wait3A_21, %dma_wait3A_22, %dma_wait3A_23] : memref<16384x7x8x128xf32, #tpu.memory_space<hbm>> -> memref<128x1x1x64xf32, #tpu.memory_space<hbm>>
    tpu.wait_dma2 semaphore(%arg12 : memref<!tpu.dma_semaphore, #tpu.memory_space<semaphore_mem>>) src(%arg8 : memref<128x1x1x64xf32, #tpu.memory_space<vmem>>) dst(%dma_wait3A_24 : memref<128x1x1x64xf32, #tpu.memory_space<hbm>>)
    %add3A_25 = arith.constant 3 : i32
    %add3A_26 = arith.addi %mul3A_2, %add3A_25 : i32
    %mul3A_27 = arith.constant 128 : i32
    %mul3A_28 = arith.muli %add3A_26, %mul3A_27 : i32
    %dma_wait3A_29 = arith.constant 6 : i32
    %dma_wait3A_30 = arith.constant 1 : i32
    %dma_wait3A_31 = arith.constant 0 : i32
    %dma_wait3A_32 = tpu.memref_slice %arg4[%mul3A_28, %dma_wait3A_29, %dma_wait3A_30, %dma_wait3A_31] : memref<16384x7x8x128xf32, #tpu.memory_space<hbm>> -> memref<128x1x1x64xf32, #tpu.memory_space<hbm>>
    %dma_wait3A_33 = arith.constant 6 : i32
    %dma_wait3A_34 = arith.constant 1 : i32
    %dma_wait3A_35 = arith.constant 0 : i32
    %dma_wait3A_36 = tpu.memref_slice %arg4[%mul3A_28, %dma_wait3A_33, %dma_wait3A_34, %dma_wait3A_35] : memref<16384x7x8x128xf32, #tpu.memory_space<hbm>> -> memref<128x1x1x64xf32, #tpu.memory_space<hbm>>
    tpu.wait_dma2 semaphore(%arg13 : memref<!tpu.dma_semaphore, #tpu.memory_space<semaphore_mem>>) src(%arg9 : memref<128x1x1x64xf32, #tpu.memory_space<vmem>>) dst(%dma_wait3A_36 : memref<128x1x1x64xf32, #tpu.memory_space<hbm>>)
    return
  }
}

</mosaic_0001>

<sc_bundles>
// kernel: kernel.4.cloned.1.call-start
scs
__scs_entry_jumppad:
0x0: {  	(pc) =	sbr.rel $0x88, $3  }
0x1: {  	(tag) =	ssettag $0x0;
	lr =	simm.s32 $0x1  }
0x2: {  	[smem:$0x3F9F] =	sst lr;
	_ =	strace $0xD0000000  }
0x3: {  	_ = 	snop  }
0x4: {  	_ = 	snop  }
0x5: {  	_ = 	snop  }
0x6: {  	_ = 	snop  }
0x7: {  	_ = 	snop  }
__scs_overlays_trampoline_lowered:
0x8: {  	[smem:$0x3FAE] =	sst s0  }
0x9: {  	[smem:$0x3FAF] =	sst s1  }
0xa: {  	[smem:$0x3FB0] =	sst s2  }
0xb: {  	[smem:$0x3FB1] =	sst s3  }
0xc: {  	[smem:$0x3FB2] =	sst s4  }
0xd: {  	[smem:$0x3FB3] =	sst s5  }
0xe: {  	[smem:$0x3FB4] =	sst s6  }
0xf: {  	[smem:$0x3FB5] =	sst s7  }
0x10: {  	[smem:$0x3FB6] =	sst s8  }
0x11: {  	[smem:$0x3FB7] =	sst s9;
	s0 =	simm.s32 @!p0 $0x0  }
0x12: {  	s1 =	sld [smem:$0x3F9D];
	s0 =	simm.s32 @p0 $0x1  }
0x13: {  	[smem:$0x3FB8] =	sst s0;
	s0 =	simm.s32 @!p1 $0x0  }
0x14: {  	s2 =	sld [smem:$0x3F9C];
	s0 =	simm.s32 @p1 $0x1  }
0x15: {  	[smem:$0x3FB9] =	sst s0;
	s0 =	simm.s32 @!p2 $0x0  }
0x16: {  	s3 =	sld [smem:$0x3FDB];
	s0 =	simm.s32 @p2 $0x1  }
0x17: {  	s4 =	simm.s32 $0x1BF5;
	[smem:$0x3FBB] =	sst s0  }
0x18: {  	s0 =	sld [smem:$0x3F9E];
	_ =	swait.ge [sflag:s4], $0x0  }
0x19: {  	s7 =	sld [smem:$0x3F9F]  }
0x1a: {  	s8 =	sadd.s32 $0xFFFFE003, lr  }
0x1b: {  	s9 =	sadd.s32 $0xFFFFFEF7, lr;
	s5 =	simm.s32 $0xFFFFFFFF;
	p2 =	slt.u32 s8, $0xFFFFF086  }
0x1c: {  	p1 =	slt.u32 s9, $0xF7A;
	s5 =	simm.s32 @!p2 $0x0  }
0x1d: {  	s5 =	simm.s32 @p1 $0x1;
	p0 =	seq.s32 s7, s2  }
0x1e: {  	s7 =	smul.u32 @!p0 $0xF7A, s2;
	p2 =	seq.s32 @!p0 s5, $0x0  }
0x1f: {  	s9 =	smul.u32 $0xF7A, s1;
	s8 =	simm.s32 @!p0 $0x1BF5;
	p2 =	por !p2, p0  }
0x20: {  	[sflag:s8] =	ssyncset.s32 @!p0 $0xFFFFF086;
	s6 =	sadd.s32 @!p0 s3, s7;
	s7 =	simm.s32 @!p0 $0x108  }
0x21: {  	s3 =	sadd.s32 s3, s9;
	s6 =	sadd.s32 @!p0 $0x88, s6;
	s7 =	simm.s32 @p2 $0x1082  }
0x22: {  	[simem:s7], [sflag:s8] =	dma.local @!p0 [hbm:s6], $0xF7A  }
0x23: {  	s9 =	sor.u32 $0xD0000000, s2;
	s6 =	simm.s32 $0x108;
	_ =	swait.ge @!p0 [sflag:s8], $0x0  }
0x24: {  	s3 =	sadd.s32 $0x88, s3;
	s6 =	simm.s32 @!p1 $0x1082;
	[sflag:s4] =	ssyncset.s32 $0xFFFFF086  }
0x25: {  	[simem:s6], [sflag:s4] =	dma.local [hbm:s3], $0xF7A  }
0x26: {  	[smem:$0x3F9F] =	sst s1;
	(tag) =	ssettag s2;
	_ =	strace s9  }
0x27: {  	s1 =	sld [smem:$0x3FAF]  }
0x28: {  	s2 =	sld [smem:$0x3FB0]  }
0x29: {  	s4 =	sld [smem:$0x3FB2]  }
0x2a: {  	p0 =	seq.s32 s5, $0x0;
	s5 =	sld [smem:$0x3FB3]  }
0x2b: {  	s6 =	sld [smem:$0x3FB4]  }
0x2c: {  	s7 =	sld [smem:$0x3FB5]  }
0x2d: {  	s3 =	simm.s32 $0x108;
	s8 =	sld [smem:$0x3FB6]  }
0x2e: {  	s3 =	simm.s32 @!p0 $0x1082;
	s9 =	sld [smem:$0x3FB7]  }
0x2f: {  	lr =	sadd.s32 s0, s3;
	s0 =	sld [smem:$0x3FAE]  }
0x30: {  	s3 =	sld [smem:$0x3FB1]  }
0x31: {  	[smem:$0x3FBA] =	sst s10  }
0x32: {  	s10 =	sld [smem:$0x3FB8];
	_ =	sdelay $0x3  }
0x33: {  	p0 =	seq.s32 s10, $0x1;
	s10 =	sld [smem:$0x3FBA];
	_ =	sdelay $0x3  }
0x34: {  	[smem:$0x3FBA] =	sst s10  }
0x35: {  	s10 =	sld [smem:$0x3FB9];
	_ =	sdelay $0x3  }
0x36: {  	p1 =	seq.s32 s10, $0x1;
	s10 =	sld [smem:$0x3FBA];
	_ =	sdelay $0x3  }
0x37: {  	[smem:$0x3FBA] =	sst s10  }
0x38: {  	s10 =	sld [smem:$0x3FBB]  }
0x39: {  	_ = 	snop;
	(pc) =	sbr.ind lr, $3  }
0x3a: {  	_ = 	snop  }
0x3b: {  	_ = 	snop  }
0x3c: {  	p2 =	seq.s32 s10, $0x1;
	s10 =	sld [smem:$0x3FBA]  }
0x3d: {  	_ =	shalt  }
0x3e: {  	_ =	shalt  }
0x3f: {  	_ =	shalt  }
0x40: {  	_ =	shalt  }
0x41: {  	_ =	shalt  }
0x42: {  	_ =	shalt  }
0x43: {  	_ =	shalt  }
0x44: {  	_ =	shalt  }
0x45: {  	_ =	shalt  }
0x46: {  	_ =	shalt  }
0x47: {  	_ =	shalt  }
0x48: {  	_ =	shalt  }
0x49: {  	_ =	shalt  }
0x4a: {  	_ =	shalt  }
0x4b: {  	_ =	shalt  }
0x4c: {  	_ =	shalt  }
0x4d: {  	_ =	shalt  }
0x4e: {  	_ =	shalt  }
0x4f: {  	_ =	shalt  }
0x50: {  	_ =	shalt  }
0x51: {  	_ =	shalt  }
0x52: {  	_ =	shalt  }
0x53: {  	_ =	shalt  }
0x54: {  	_ =	shalt  }
0x55: {  	_ =	shalt  }
0x56: {  	_ =	shalt  }
0x57: {  	_ =	shalt  }
0x58: {  	_ =	shalt  }
0x59: {  	_ =	shalt  }
0x5a: {  	_ =	shalt  }
0x5b: {  	_ =	shalt  }
0x5c: {  	_ =	shalt  }
0x5d: {  	_ =	shalt  }
0x5e: {  	_ =	shalt  }
0x5f: {  	_ =	shalt  }
0x60: {  	_ =	shalt  }
0x61: {  	_ =	shalt  }
0x62: {  	_ =	shalt  }
0x63: {  	_ =	shalt  }
0x64: {  	_ =	shalt  }
0x65: {  	_ =	shalt  }
0x66: {  	_ =	shalt  }
0x67: {  	_ =	shalt  }
0x68: {  	_ =	shalt  }
0x69: {  	_ =	shalt  }
0x6a: {  	_ =	shalt  }
0x6b: {  	_ =	shalt  }
0x6c: {  	_ =	shalt  }
0x6d: {  	_ =	shalt  }
0x6e: {  	_ =	shalt  }
0x6f: {  	_ =	shalt  }
0x70: {  	_ =	shalt  }
0x71: {  	_ =	shalt  }
0x72: {  	_ =	shalt  }
0x73: {  	_ =	shalt  }
0x74: {  	_ =	shalt  }
0x75: {  	_ =	shalt  }
0x76: {  	_ =	shalt  }
0x77: {  	_ =	shalt  }
0x78: {  	_ =	shalt  }
0x79: {  	_ =	shalt  }
0x7a: {  	_ =	shalt  }
0x7b: {  	_ =	shalt  }
0x7c: {  	_ =	shalt  }
0x7d: {  	_ =	shalt  }
0x7e: {  	_ =	shalt  }
0x7f: {  	_ =	shalt  }
0x80: {  	_ =	shalt  }
0x81: {  	_ =	shalt  }
0x82: {  	_ =	shalt  }
0x83: {  	_ =	shalt  }
0x84: {  	_ =	shalt  }
0x85: {  	_ =	shalt  }
0x86: {  	_ =	shalt  }
0x87: {  	_ =	shalt  }
.Lfunc_end0:
.L_simem_size_0:
called_computation.1_lowered:
.L_overlay_start_0:
0x88: {  	s2 =	sld [smem:$0x3FD9]  }
0x89: {  	s3 =	sld [smem:$0x3FFE];
	_ =	sdelay $0x1  }
0x8a: {  	s1 =	srdreg.scid  }
0x8b: {  	s0 =	sand.u32 $0x1, s1  }
0x8c: {  	s18 =	sshll.u32 s0, $0xA;
	s2 =	sadd.s32 s3, s2  }
0x8d: {  	s2 =	sadd.s32 s2, s18  }
0x8e: {  	[smem:$0x3FC6] =	sst s2  }
0x8f: {  	_ = 	snop  }
0x90: {  	s2 =	sld [smem:$0x3FC9]  }
0x91: {  	s19 =	sld [smem:$0x3FD0];
	(tm) =	ssettm $0x1  }
0x92: {  	s4 =	sld [smem:$0x3FFB];
	_ =	sdelay $0x3  }
0x93: {  	_ =	strace s4  }
0x94: {  	s4 =	sld [smem:$0x3FFC];
	_ =	sdelay $0x3  }
0x95: {  	_ =	strace s4  }
0x96: {  	s4 =	sld [smem:$0x3FFD];
	_ =	sdelay $0x3  }
0x97: {  	_ =	strace s4  }
0x98: {  	_ =	strace $0x8FFFFFFF  }
0x99: {  	s20 =	sld [smem:$0x3FDB];
	_ =	sdelay $0x1  }
0x9a: {  	s5 =	simm.s32 $_scs_section_size  }
0x9b: {  	s6 =	simm.s32 $_size__tile_overlayer_lowered;
	s7 =	simm.s32 $_tile_overlayer_lowered  }
0x9c: {  	s23 =	simm.s32 $0x1BFF;
	s22 =	sshll.u32 s7, $0x1;
	s4 =	sadd.s32 s5, s20  }
0x9d: {  	s8 =	simm.s32 $0x0;
	s21 =	sshll.u32 s6, $0x1;
	s6 =	sadd.s32 s22, s4  }
0x9e: {  	[timem:s8], [sflag:s23] =	dma.local [hbm:s6], s21  }
0x9f: {  	_ =	swait.ge [sflag:s23], s21  }
0xa0: {  	s5 =	ssub.s32 $0x0, s21;
	[sflag:s23] =	ssyncset.done $0x0  }
0xa1: {  	[sflag:s23] =	ssyncadd.s32 s5;
	_ =	sdelay $0x1  }
0xa2: {  	s24 =	simm.s32 $0x1B8B  }
0xa3: {  	_ =	swait.ge [sflag:s24], $0x1  }
0xa4: {  	[sflag:s24] =	ssyncset.done $0x0  }
0xa5: {  	s25 =	simm.s32 $0x1B8E;
	[sflag:s24] =	ssyncadd.s32 $0xFFFFFFFF  }
0xa6: {  	s26 =	simm.s32 $execute0_lowered;
	[smem:$0x3FD2] =	sst s25  }
0xa7: {  	s5 =	sshll.u32 s26, $0x1;
	_ =	strace $0x80000046;
	[dreg:$0x1] =	wrdreg $0xFFFFFFFF  }
0xa8: {  	s28 =	simm.s32 $_size_execute0_lowered;
	s4 =	sadd.s32 s4, s5;
	[dreg:$0x0] =	wrdreg $0x0  }
0xa9: {  	s5 =	sshll.u32 s28, $0x1;
	[dreg:$0x2] =	wrdreg s4  }
0xaa: {  	[dreg:$0x3] =	wrdreg s5  }
0xab: {  	[dreg:$0x4] =	wrdreg $0xC0  }
0xac: {  	_ =	task [dreg:s8], $0x5FFFF  }
0xad: {  	[dreg:$0x1] =	wrdreg $0xFFFFFFFF  }
0xae: {  	[dreg:$0x0] =	wrdreg $0x60  }
0xaf: {  	[dreg:$0x2] =	wrdreg s2  }
0xb0: {  	[dreg:$0x3] =	wrdreg s19  }
0xb1: {  	[dreg:$0x4] =	wrdreg $0x9  }
0xb2: {  	_ =	task.clear_ibuf [dreg:s8], $0x5FFFF;
	_ =	strace $0x90000046  }
0xb3: {  	s29 =	simm.s32 $0x9;
	_ =	strace $0x80000048  }
0xb4: {  	_ =	swait.ge [sflag:s29], $0x1  }
0xb5: {  	[sflag:s29] =	ssyncadd.s32 $0xFFFFFFFF  }
0xb6: {  	_ =	strace $0x90000048  }
0xb7: {  	_ =	sfence  }
0xb8: {  	s30 =	sld [smem:$0x0];
	_ =	sdelay $0x2  }
0xb9: {  	s31 =	sshll.u32 s1, $0xD;
	s1 =	sshrl.u32 s1, $0x2  }
0xba: {  	s3 =	sand.u32 $0x4000, s31;
	s1 =	sadd.s32 s1, s30  }
0xbb: {  	s0 =	sor.u32 s3, s0;
	s1 =	sshll.u32 s1, $0x11  }
0xbc: {  	s0 =	sor.u32 s1, s0  }
0xbd: {  	s0 =	sadd.s32 $0x8F2B, s0  }
0xbe: {  	[sflag:s0] =	ssyncadd.remote.s32 $0x1  }
0xbf: {  	_ =	sfence.sel $0xFFFF  }
0xc0: {  	[dreg:$0x0] =	wrdreg $0xFFFFFFFF;
	(pc) =	sbr.abs _section_cstart, $3  }
0xc1: {  	[dreg:$0x1] =	wrdreg $0xFFFFFFFF  }
0xc2: {  	_ =	task.clear_ibuf [dreg:s8], $0x2FFFF;
	_ =	strace $0x9FFFFFFF  }
0xc3: {  	(tm) =	ssettm $0x7FFFFFFF  }
tec
execute0_lowered:
.L_overlay_start_1:
0x0: {  	(tag) =	ssettag $0x1  }
0x1: {  	s22 =	rddreg [dreg:$0x0]  }
0x2: {  	s25 =	rddreg [dreg:$0x1];
	s3 =	srdreg.scid  }
0x3: {  	s0 =	rddreg [dreg:$0x2];
	s1 =	stileid.u32;
	s26 =	sand.u32 $0x1, s3  }
0x4: {  	s2 =	simm.s32 $0x0;
	s28 =	sshll.u32 s1, $0xA;
	s3 =	sshll.u32 s26, $0x9  }
0x5: {  	s4 =	simm.s32 $0x400;
	[smem:$0x7FF] =	sst s2;
	s23 =	sor.u32 s3, s28  }
0x6: {  	s5 =	simm.s32 $0x20000;
	_ =	strace $0x80000047;
	s3 =	sadd.s32 s22, s23  }
0x7: {  	[tilespmem:s2], [sflag:$0x1] =	stream.strided.gather [hbm4b:s3+s4], $0x1800, s5, s4, $0x38;
	[tilespmem:$0x3200] =	vst v63  }
0x8: {  	s7 =	simm.s32 $0x1800;
	s19 =	sor.u32 $0x80, s23;
	s6 =	sadd.s32 $0x18000, s3  }
0x9: {  	[tilespmem:s7], [sflag:$0x1] =	stream.linear.gather [hbm4b:s6+s2], $0x100, $0x38;
	[tilespmem:$0x3200] =	vst v63  }
0xa: {  	s9 =	simm.s32 $0x1900;
	s8 =	sadd.s32 s22, s19  }
0xb: {  	[tilespmem:s9], [sflag:$0x2] =	stream.strided.gather [hbm4b:s8+s4], $0x1800, s5, s4, $0x38;
	[tilespmem:$0x3200] =	vst v63  }
0xc: {  	s11 =	simm.s32 $0x3100;
	s12 =	simm.s32 $0x1;
	s10 =	sadd.s32 $0x18000, s8  }
0xd: {  	[tilespmem:s11], [sflag:$0x2] =	stream.linear.gather [hbm4b:s10+s2], $0x100, $0x38;
	[tilespmem:$0x3200] =	vst v63  }
0xe: {  	s14 =	simm.s32 $0x80;
	_ =	swait.ge [sflag:s12], $0x1900  }
0xf: {  	s15 =	simm.s32 $0x4000;
	s13 =	sshrl.u32 s23, $0x3;
	[sflag:s12] =	ssyncset.done $0x0  }
0x10: {  	s16 =	simm.s32 $0x3;
	s13 =	sadd.s32 s25, s13;
	[sflag:s12] =	ssyncadd.s32 $0xFFFFE700  }
0x11: {  	[hbm4b:s13+s14] =	stream.strided.scatter [tilespmem:s2], [sflag:$0x3], $0x1900, s15, s14, $0x38;
	[tilespmem:$0x3200] =	vst v63  }
0x12: {  	_ =	swait.ge [sflag:s16], $0x1900  }
0x13: {  	s24 =	sor.u32 $0x100, s23;
	[sflag:s16] =	ssyncset.done $0x0  }
0x14: {  	s17 =	sadd.s32 s22, s24;
	[sflag:s16] =	ssyncadd.s32 $0xFFFFE700  }
0x15: {  	[tilespmem:s2], [sflag:$0x1] =	stream.strided.gather [hbm4b:s17+s4], $0x1800, s5, s4, $0x38;
	[tilespmem:$0x3200] =	vst v63  }
0x16: {  	s20 =	sand.u32 $0x280, s19;
	s19 =	simm.s32 $0x2;
	s18 =	sadd.s32 $0x18000, s17  }
0x17: {  	[tilespmem:s7], [sflag:$0x1] =	stream.linear.gather [hbm4b:s18+s2], $0x100, $0x38;
	[tilespmem:$0x3200] =	vst v63  }
0x18: {  	s20 =	sor.u32 s28, s20;
	_ =	swait.ge [sflag:s19], $0x1900  }
0x19: {  	s20 =	sshrl.u32 s20, $0x3;
	[sflag:s19] =	ssyncset.done $0x0  }
0x1a: {  	s21 =	simm.s32 $0x4;
	s20 =	sadd.s32 s25, s20;
	[sflag:s19] =	ssyncadd.s32 $0xFFFFE700  }
0x1b: {  	[hbm4b:s20+s14] =	stream.strided.scatter [tilespmem:s9], [sflag:$0x4], $0x1900, s15, s14, $0x38;
	[tilespmem:$0x3200] =	vst v63  }
0x1c: {  	_ =	swait.ge [sflag:s21], $0x1900  }
0x1d: {  	s29 =	sor.u32 $0x180, s23;
	[sflag:s21] =	ssyncset.done $0x0  }
0x1e: {  	s22 =	sadd.s32 s22, s29;
	[sflag:s21] =	ssyncadd.s32 $0xFFFFE700  }
0x1f: {  	[tilespmem:s9], [sflag:$0x2] =	stream.strided.gather [hbm4b:s22+s4], $0x1800, s5, s4, $0x38;
	[tilespmem:$0x3200] =	vst v63  }
0x20: {  	s24 =	sand.u32 $0x300, s24;
	s23 =	sadd.s32 $0x18000, s22  }
0x21: {  	[tilespmem:s11], [sflag:$0x2] =	stream.linear.gather [hbm4b:s23+s2], $0x100, $0x38;
	[tilespmem:$0x3200] =	vst v63  }
0x22: {  	s26 =	ssub.s32 $0x2, s26;
	s24 =	sor.u32 s28, s24;
	_ =	swait.ge [sflag:s12], $0x1900  }
0x23: {  	s31 =	sshrl.u32 s26, $0x1;
	s24 =	sshrl.u32 s24, $0x3;
	[sflag:s12] =	ssyncset.done $0x0  }
0x24: {  	s29 =	sand.u32 $0x380, s29;
	s24 =	sadd.s32 s25, s24;
	[sflag:s12] =	ssyncadd.s32 $0xFFFFE700  }
0x25: {  	[hbm4b:s24+s14] =	stream.strided.scatter [tilespmem:s2], [sflag:$0x3], $0x1900, s15, s14, $0x38;
	[tilespmem:$0x3200] =	vst v63  }
0x26: {  	s26 =	ssub.s32 s26, s31;
	s28 =	sor.u32 s28, s29;
	_ =	swait.ge [sflag:s19], $0x1900  }
0x27: {  	s26 =	smax.u32 s26, $0x1;
	s28 =	sshrl.u32 s28, $0x3;
	[sflag:s19] =	ssyncset.done $0x0  }
0x28: {  	p0 =	sne.s32 s26, $0x1;
	s25 =	sadd.s32 s25, s28;
	[sflag:s19] =	ssyncadd.s32 $0xFFFFE700  }
0x29: {  	[hbm4b:s25+s14] =	stream.strided.scatter [tilespmem:s9], [sflag:$0x4], $0x1900, s15, s14, $0x38;
	[tilespmem:$0x3200] =	vst v63  }
.Ltmp0:
0x2a: {  	_ =	swait.ge [sflag:s16], $0x1900;
	(pc) =	sbr.rel @!p0 .LBB2_2-.Ltmp0, $4  }
0x2b: {  	[sflag:s16] =	ssyncset.done $0x0  }
0x2c: {  	[sflag:s16] =	ssyncadd.s32 $0xFFFFE700  }
0x2d: {  	_ =	swait.ge [sflag:s21], $0x1900  }
0x2e: {  	s26 =	sadd.s32 $0xFFFFFFFF, s26;
	[sflag:s21] =	ssyncset.done $0x0  }
.LBB2_1:
0x2f: {  	p0 =	sne.s32 s26, $0x1;
	s26 =	sadd.s32 $0xFFFFFFFF, s26;
	[sflag:s21] =	ssyncadd.s32 $0xFFFFE700  }
0x30: {  	[tilespmem:s2], [sflag:$0x1] =	stream.strided.gather [hbm4b:s3+s4], $0x1800, s5, s4, $0x38;
	[tilespmem:$0x3200] =	vst v63  }
0x31: {  	_ = 	snop  }
0x32: {  	[tilespmem:s7], [sflag:$0x1] =	stream.linear.gather [hbm4b:s6+s2], $0x100, $0x38;
	[tilespmem:$0x3200] =	vst v63  }
0x33: {  	_ = 	snop  }
0x34: {  	[tilespmem:s9], [sflag:$0x2] =	stream.strided.gather [hbm4b:s8+s4], $0x1800, s5, s4, $0x38;
	[tilespmem:$0x3200] =	vst v63  }
0x35: {  	_ = 	snop  }
0x36: {  	[tilespmem:s11], [sflag:$0x2] =	stream.linear.gather [hbm4b:s10+s2], $0x100, $0x38;
	[tilespmem:$0x3200] =	vst v63  }
0x37: {  	_ =	swait.ge [sflag:s12], $0x1900  }
0x38: {  	[sflag:s12] =	ssyncset.done $0x0  }
0x39: {  	[sflag:s12] =	ssyncadd.s32 $0xFFFFE700  }
0x3a: {  	[hbm4b:s13+s14] =	stream.strided.scatter [tilespmem:s2], [sflag:$0x3], $0x1900, s15, s14, $0x38;
	[tilespmem:$0x3200] =	vst v63  }
0x3b: {  	_ =	swait.ge [sflag:s16], $0x1900  }
0x3c: {  	[sflag:s16] =	ssyncset.done $0x0  }
0x3d: {  	[sflag:s16] =	ssyncadd.s32 $0xFFFFE700  }
0x3e: {  	[tilespmem:s2], [sflag:$0x1] =	stream.strided.gather [hbm4b:s17+s4], $0x1800, s5, s4, $0x38;
	[tilespmem:$0x3200] =	vst v63  }
0x3f: {  	_ = 	snop  }
0x40: {  	[tilespmem:s7], [sflag:$0x1] =	stream.linear.gather [hbm4b:s18+s2], $0x100, $0x38;
	[tilespmem:$0x3200] =	vst v63  }
0x41: {  	_ =	swait.ge [sflag:s19], $0x1900  }
0x42: {  	[sflag:s19] =	ssyncset.done $0x0  }
0x43: {  	[sflag:s19] =	ssyncadd.s32 $0xFFFFE700  }
0x44: {  	[hbm4b:s20+s14] =	stream.strided.scatter [tilespmem:s9], [sflag:$0x4], $0x1900, s15, s14, $0x38;
	[tilespmem:$0x3200] =	vst v63  }
0x45: {  	_ =	swait.ge [sflag:s21], $0x1900  }
0x46: {  	[sflag:s21] =	ssyncset.done $0x0  }
0x47: {  	[sflag:s21] =	ssyncadd.s32 $0xFFFFE700  }
0x48: {  	[tilespmem:s9], [sflag:$0x2] =	stream.strided.gather [hbm4b:s22+s4], $0x1800, s5, s4, $0x38;
	[tilespmem:$0x3200] =	vst v63  }
0x49: {  	_ = 	snop  }
0x4a: {  	[tilespmem:s11], [sflag:$0x2] =	stream.linear.gather [hbm4b:s23+s2], $0x100, $0x38;
	[tilespmem:$0x3200] =	vst v63  }
0x4b: {  	_ =	swait.ge [sflag:s12], $0x1900  }
0x4c: {  	[sflag:s12] =	ssyncset.done $0x0  }
0x4d: {  	[sflag:s12] =	ssyncadd.s32 $0xFFFFE700  }
0x4e: {  	[hbm4b:s24+s14] =	stream.strided.scatter [tilespmem:s2], [sflag:$0x3], $0x1900, s15, s14, $0x38;
	[tilespmem:$0x3200] =	vst v63  }
0x4f: {  	_ =	swait.ge [sflag:s19], $0x1900  }
0x50: {  	[sflag:s19] =	ssyncset.done $0x0  }
0x51: {  	[sflag:s19] =	ssyncadd.s32 $0xFFFFE700  }
0x52: {  	[hbm4b:s25+s14] =	stream.strided.scatter [tilespmem:s9], [sflag:$0x4], $0x1900, s15, s14, $0x38;
	[tilespmem:$0x3200] =	vst v63  }
.Ltmp1:
0x53: {  	_ =	swait.ge [sflag:s16], $0x1900;
	(pc) =	sbr.rel @p0 .LBB2_1-.Ltmp1, $4  }
0x54: {  	[sflag:s16] =	ssyncset.done $0x0  }
0x55: {  	[sflag:s16] =	ssyncadd.s32 $0xFFFFE700  }
0x56: {  	_ =	swait.ge [sflag:s21], $0x1900  }
0x57: {  	[sflag:s21] =	ssyncset.done $0x0  }
.LBB2_2:
0x58: {  	[sflag:s21] =	ssyncadd.s32 $0xFFFFE700  }
0x59: {  	_ =	sfence.sel $0x180000  }
0x5a: {  	[bflag:$0x0] =	sbarrier.arrive $0xFFFF  }
0x5b: {  	p0 =	sne.s32 s1, $0x0;
	_ =	strace $0x90000047  }
0x5c: {  	s0 =	sadd.s32 @!p0 $0x100000, s0;
	[bflag:$0x2] =	sbarrier.arrive $0xFFFF  }
0x5d: {  	[sflag:s0] =	ssyncadd.tile.s32 @!p0 $0x1;
	_ =	shalt  }
.Lfunc_end2:
_tile_overlayer_lowered:
.L_overlay_start_2:
0x5e: {  	(tag) =	ssettag $0x2  }
0x5f: {  	s0 =	rddreg [dreg:$0x0];
	s2 =	stileid.u32  }
0x60: {  	s1 =	rddreg [dreg:$0x1];
	p0 =	sne.s32 s2, $0x0  }
0x61: {  	s3 =	rddreg [dreg:$0x2];
	[bflag:$0x3] =	sbarrier.arrive $0xFFFF;
	s2 =	simm.s32 @!p0 $0x1C05  }
0x62: {  	[timem:s3], [sflag:s2] =	dma.local @!p0 [hbm:s0], s1  }
0x63: {  	s0 =	simm.s32 @!p0 $0x5  }
0x64: {  	_ =	swait.ge @!p0 [sflag:s0], s1  }
0x65: {  	s1 =	ssub.s32 @!p0 $0x0, s1;
	[sflag:s0] =	ssyncset.done @!p0 $0x0  }
0x66: {  	[sflag:s0] =	ssyncadd.s32 @!p0 s1  }
0x67: {  	[bflag:$0x3] =	sbarrier.arrive $0xFFFF  }
0x68: {  	_ =	shalt  }

// kernel: kernel.7.cloned.1.call-start
scs
__scs_entry_jumppad:
0x0: {  	(pc) =	sbr.rel $0x88, $3  }
0x1: {  	(tag) =	ssettag $0x0;
	lr =	simm.s32 $0x1  }
0x2: {  	[smem:$0x3F9F] =	sst lr;
	_ =	strace $0xD0000000  }
0x3: {  	_ = 	snop  }
0x4: {  	_ = 	snop  }
0x5: {  	_ = 	snop  }
0x6: {  	_ = 	snop  }
0x7: {  	_ = 	snop  }
__scs_overlays_trampoline_lowered:
0x8: {  	[smem:$0x3FAE] =	sst s0  }
0x9: {  	[smem:$0x3FAF] =	sst s1  }
0xa: {  	[smem:$0x3FB0] =	sst s2  }
0xb: {  	[smem:$0x3FB1] =	sst s3  }
0xc: {  	[smem:$0x3FB2] =	sst s4  }
0xd: {  	[smem:$0x3FB3] =	sst s5  }
0xe: {  	[smem:$0x3FB4] =	sst s6  }
0xf: {  	[smem:$0x3FB5] =	sst s7  }
0x10: {  	[smem:$0x3FB6] =	sst s8  }
0x11: {  	[smem:$0x3FB7] =	sst s9;
	s0 =	simm.s32 @!p0 $0x0  }
0x12: {  	s1 =	sld [smem:$0x3F9D];
	s0 =	simm.s32 @p0 $0x1  }
0x13: {  	[smem:$0x3FB8] =	sst s0;
	s0 =	simm.s32 @!p1 $0x0  }
0x14: {  	s2 =	sld [smem:$0x3F9C];
	s0 =	simm.s32 @p1 $0x1  }
0x15: {  	[smem:$0x3FB9] =	sst s0;
	s0 =	simm.s32 @!p2 $0x0  }
0x16: {  	s3 =	sld [smem:$0x3FDB];
	s0 =	simm.s32 @p2 $0x1  }
0x17: {  	s4 =	simm.s32 $0x1BF5;
	[smem:$0x3FBB] =	sst s0  }
0x18: {  	s0 =	sld [smem:$0x3F9E];
	_ =	swait.ge [sflag:s4], $0x0  }
0x19: {  	s7 =	sld [smem:$0x3F9F]  }
0x1a: {  	s8 =	sadd.s32 $0xFFFFE003, lr  }
0x1b: {  	s9 =	sadd.s32 $0xFFFFFEF7, lr;
	s5 =	simm.s32 $0xFFFFFFFF;
	p2 =	slt.u32 s8, $0xFFFFF086  }
0x1c: {  	p1 =	slt.u32 s9, $0xF7A;
	s5 =	simm.s32 @!p2 $0x0  }
0x1d: {  	s5 =	simm.s32 @p1 $0x1;
	p0 =	seq.s32 s7, s2  }
0x1e: {  	s7 =	smul.u32 @!p0 $0xF7A, s2;
	p2 =	seq.s32 @!p0 s5, $0x0  }
0x1f: {  	s9 =	smul.u32 $0xF7A, s1;
	s8 =	simm.s32 @!p0 $0x1BF5;
	p2 =	por !p2, p0  }
0x20: {  	[sflag:s8] =	ssyncset.s32 @!p0 $0xFFFFF086;
	s6 =	sadd.s32 @!p0 s3, s7;
	s7 =	simm.s32 @!p0 $0x108  }
0x21: {  	s3 =	sadd.s32 s3, s9;
	s6 =	sadd.s32 @!p0 $0x88, s6;
	s7 =	simm.s32 @p2 $0x1082  }
0x22: {  	[simem:s7], [sflag:s8] =	dma.local @!p0 [hbm:s6], $0xF7A  }
0x23: {  	s9 =	sor.u32 $0xD0000000, s2;
	s6 =	simm.s32 $0x108;
	_ =	swait.ge @!p0 [sflag:s8], $0x0  }
0x24: {  	s3 =	sadd.s32 $0x88, s3;
	s6 =	simm.s32 @!p1 $0x1082;
	[sflag:s4] =	ssyncset.s32 $0xFFFFF086  }
0x25: {  	[simem:s6], [sflag:s4] =	dma.local [hbm:s3], $0xF7A  }
0x26: {  	[smem:$0x3F9F] =	sst s1;
	(tag) =	ssettag s2;
	_ =	strace s9  }
0x27: {  	s1 =	sld [smem:$0x3FAF]  }
0x28: {  	s2 =	sld [smem:$0x3FB0]  }
0x29: {  	s4 =	sld [smem:$0x3FB2]  }
0x2a: {  	p0 =	seq.s32 s5, $0x0;
	s5 =	sld [smem:$0x3FB3]  }
0x2b: {  	s6 =	sld [smem:$0x3FB4]  }
0x2c: {  	s7 =	sld [smem:$0x3FB5]  }
0x2d: {  	s3 =	simm.s32 $0x108;
	s8 =	sld [smem:$0x3FB6]  }
0x2e: {  	s3 =	simm.s32 @!p0 $0x1082;
	s9 =	sld [smem:$0x3FB7]  }
0x2f: {  	lr =	sadd.s32 s0, s3;
	s0 =	sld [smem:$0x3FAE]  }
0x30: {  	s3 =	sld [smem:$0x3FB1]  }
0x31: {  	[smem:$0x3FBA] =	sst s10  }
0x32: {  	s10 =	sld [smem:$0x3FB8];
	_ =	sdelay $0x3  }
0x33: {  	p0 =	seq.s32 s10, $0x1;
	s10 =	sld [smem:$0x3FBA];
	_ =	sdelay $0x3  }
0x34: {  	[smem:$0x3FBA] =	sst s10  }
0x35: {  	s10 =	sld [smem:$0x3FB9];
	_ =	sdelay $0x3  }
0x36: {  	p1 =	seq.s32 s10, $0x1;
	s10 =	sld [smem:$0x3FBA];
	_ =	sdelay $0x3  }
0x37: {  	[smem:$0x3FBA] =	sst s10  }
0x38: {  	s10 =	sld [smem:$0x3FBB]  }
0x39: {  	_ = 	snop;
	(pc) =	sbr.ind lr, $3  }
0x3a: {  	_ = 	snop  }
0x3b: {  	_ = 	snop  }
0x3c: {  	p2 =	seq.s32 s10, $0x1;
	s10 =	sld [smem:$0x3FBA]  }
0x3d: {  	_ =	shalt  }
0x3e: {  	_ =	shalt  }
0x3f: {  	_ =	shalt  }
0x40: {  	_ =	shalt  }
0x41: {  	_ =	shalt  }
0x42: {  	_ =	shalt  }
0x43: {  	_ =	shalt  }
0x44: {  	_ =	shalt  }
0x45: {  	_ =	shalt  }
0x46: {  	_ =	shalt  }
0x47: {  	_ =	shalt  }
0x48: {  	_ =	shalt  }
0x49: {  	_ =	shalt  }
0x4a: {  	_ =	shalt  }
0x4b: {  	_ =	shalt  }
0x4c: {  	_ =	shalt  }
0x4d: {  	_ =	shalt  }
0x4e: {  	_ =	shalt  }
0x4f: {  	_ =	shalt  }
0x50: {  	_ =	shalt  }
0x51: {  	_ =	shalt  }
0x52: {  	_ =	shalt  }
0x53: {  	_ =	shalt  }
0x54: {  	_ =	shalt  }
0x55: {  	_ =	shalt  }
0x56: {  	_ =	shalt  }
0x57: {  	_ =	shalt  }
0x58: {  	_ =	shalt  }
0x59: {  	_ =	shalt  }
0x5a: {  	_ =	shalt  }
0x5b: {  	_ =	shalt  }
0x5c: {  	_ =	shalt  }
0x5d: {  	_ =	shalt  }
0x5e: {  	_ =	shalt  }
0x5f: {  	_ =	shalt  }
0x60: {  	_ =	shalt  }
0x61: {  	_ =	shalt  }
0x62: {  	_ =	shalt  }
0x63: {  	_ =	shalt  }
0x64: {  	_ =	shalt  }
0x65: {  	_ =	shalt  }
0x66: {  	_ =	shalt  }
0x67: {  	_ =	shalt  }
0x68: {  	_ =	shalt  }
0x69: {  	_ =	shalt  }
0x6a: {  	_ =	shalt  }
0x6b: {  	_ =	shalt  }
0x6c: {  	_ =	shalt  }
0x6d: {  	_ =	shalt  }
0x6e: {  	_ =	shalt  }
0x6f: {  	_ =	shalt  }
0x70: {  	_ =	shalt  }
0x71: {  	_ =	shalt  }
0x72: {  	_ =	shalt  }
0x73: {  	_ =	shalt  }
0x74: {  	_ =	shalt  }
0x75: {  	_ =	shalt  }
0x76: {  	_ =	shalt  }
0x77: {  	_ =	shalt  }
0x78: {  	_ =	shalt  }
0x79: {  	_ =	shalt  }
0x7a: {  	_ =	shalt  }
0x7b: {  	_ =	shalt  }
0x7c: {  	_ =	shalt  }
0x7d: {  	_ =	shalt  }
0x7e: {  	_ =	shalt  }
0x7f: {  	_ =	shalt  }
0x80: {  	_ =	shalt  }
0x81: {  	_ =	shalt  }
0x82: {  	_ =	shalt  }
0x83: {  	_ =	shalt  }
0x84: {  	_ =	shalt  }
0x85: {  	_ =	shalt  }
0x86: {  	_ =	shalt  }
0x87: {  	_ =	shalt  }
.Lfunc_end0:
.L_simem_size_0:
called_computation.2_lowered:
.L_overlay_start_0:
0x88: {  	s2 =	sld [smem:$0x3FD9]  }
0x89: {  	s3 =	sld [smem:$0x3FFE];
	_ =	sdelay $0x1  }
0x8a: {  	s1 =	srdreg.scid  }
0x8b: {  	s0 =	sand.u32 $0x1, s1  }
0x8c: {  	s17 =	sshll.u32 s0, $0xA;
	s2 =	sadd.s32 s3, s2  }
0x8d: {  	s2 =	sadd.s32 s2, s17  }
0x8e: {  	[smem:$0x3FC6] =	sst s2  }
0x8f: {  	_ = 	snop  }
0x90: {  	s2 =	sld [smem:$0x3FD0];
	(tm) =	ssettm $0x1  }
0x91: {  	s18 =	sld [smem:$0x3FFB];
	_ =	sdelay $0x3  }
0x92: {  	_ =	strace s18  }
0x93: {  	s3 =	sld [smem:$0x3FFC];
	_ =	sdelay $0x3  }
0x94: {  	_ =	strace s3  }
0x95: {  	s3 =	sld [smem:$0x3FFD];
	_ =	sdelay $0x3  }
0x96: {  	_ =	strace s3  }
0x97: {  	_ =	strace $0x8FFFFFFF  }
0x98: {  	s19 =	sld [smem:$0x3FDB];
	_ =	sdelay $0x1  }
0x99: {  	s4 =	simm.s32 $_scs_section_size  }
0x9a: {  	s5 =	simm.s32 $_size__tile_overlayer_lowered;
	s6 =	simm.s32 $_tile_overlayer_lowered  }
0x9b: {  	s22 =	simm.s32 $0x1BFF;
	s21 =	sshll.u32 s6, $0x1;
	s3 =	sadd.s32 s4, s19  }
0x9c: {  	s7 =	simm.s32 $0x0;
	s20 =	sshll.u32 s5, $0x1;
	s5 =	sadd.s32 s21, s3  }
0x9d: {  	[timem:s7], [sflag:s22] =	dma.local [hbm:s5], s20  }
0x9e: {  	_ =	swait.ge [sflag:s22], s20  }
0x9f: {  	s4 =	ssub.s32 $0x0, s20;
	[sflag:s22] =	ssyncset.done $0x0  }
0xa0: {  	[sflag:s22] =	ssyncadd.s32 s4;
	_ =	sdelay $0x1  }
0xa1: {  	s23 =	simm.s32 $0x1B8B  }
0xa2: {  	_ =	swait.ge [sflag:s23], $0x1  }
0xa3: {  	[sflag:s23] =	ssyncset.done $0x0  }
0xa4: {  	s25 =	simm.s32 $0x1B8E;
	s24 =	sld [smem:$0x3FFE];
	[sflag:s23] =	ssyncadd.s32 $0xFFFFFFFF  }
0xa5: {  	s26 =	simm.s32 $execute0_lowered;
	[smem:$0x3FD2] =	sst s25  }
0xa6: {  	s5 =	sshll.u32 s26, $0x1;
	_ =	strace $0x80000049;
	[dreg:$0x1] =	wrdreg $0xFFFFFFFF  }
0xa7: {  	s28 =	simm.s32 $_size_execute0_lowered;
	s3 =	sadd.s32 s3, s5;
	[dreg:$0x0] =	wrdreg $0x0  }
0xa8: {  	s5 =	sshll.u32 s28, $0x1;
	[dreg:$0x2] =	wrdreg s3  }
0xa9: {  	[dreg:$0x3] =	wrdreg s5  }
0xaa: {  	[dreg:$0x4] =	wrdreg $0xC0  }
0xab: {  	_ =	task [dreg:s7], $0x5FFFF  }
0xac: {  	[dreg:$0x1] =	wrdreg $0xFFFFFFFF  }
0xad: {  	[dreg:$0x0] =	wrdreg $0x60  }
0xae: {  	[dreg:$0x2] =	wrdreg s2  }
0xaf: {  	[dreg:$0x3] =	wrdreg s24  }
0xb0: {  	[dreg:$0x4] =	wrdreg $0x9  }
0xb1: {  	_ =	task.clear_ibuf [dreg:s7], $0x5FFFF;
	_ =	strace $0x90000049  }
0xb2: {  	s29 =	simm.s32 $0x9;
	_ =	strace $0x8000004B  }
0xb3: {  	_ =	swait.ge [sflag:s29], $0x1  }
0xb4: {  	[sflag:s29] =	ssyncadd.s32 $0xFFFFFFFF  }
0xb5: {  	_ =	strace $0x9000004B  }
0xb6: {  	_ =	sfence  }
0xb7: {  	s30 =	sld [smem:$0x0];
	_ =	sdelay $0x2  }
0xb8: {  	s31 =	sshll.u32 s1, $0xD;
	s1 =	sshrl.u32 s1, $0x2  }
0xb9: {  	s3 =	sand.u32 $0x4000, s31;
	s1 =	sadd.s32 s1, s30  }
0xba: {  	s0 =	sor.u32 s3, s0;
	s1 =	sshll.u32 s1, $0x11  }
0xbb: {  	s0 =	sor.u32 s1, s0  }
0xbc: {  	s0 =	sadd.s32 $0x8F2B, s0  }
0xbd: {  	[sflag:s0] =	ssyncadd.remote.s32 $0x1  }
0xbe: {  	_ =	sfence.sel $0xFFFF  }
0xbf: {  	[dreg:$0x0] =	wrdreg $0xFFFFFFFF;
	(pc) =	sbr.abs _section_cstart, $3  }
0xc0: {  	[dreg:$0x1] =	wrdreg $0xFFFFFFFF  }
0xc1: {  	_ =	task.clear_ibuf [dreg:s7], $0x2FFFF;
	_ =	strace $0x9FFFFFFF  }
0xc2: {  	(tm) =	ssettm $0x7FFFFFFF  }
0xc3: {  	_ =	shalt  }
tec
execute0_lowered:
.L_overlay_start_1:
0x0: {  	(tag) =	ssettag $0x1  }
0x1: {  	s0 =	rddreg [dreg:$0x0]  }
0x2: {  	s1 =	rddreg [dreg:$0x1];
	s3 =	simm.s32 $0x0;
	s2 =	srdreg.scid  }
0x3: {  	s28 =	stileid.u32;
	s10 =	simm.s32 $0x5;
	s11 =	simm.s32 $0x80  }
0x4: {  	s12 =	simm.s32 $0x6400;
	s13 =	simm.s32 $0x8400;
	s14 =	simm.s32 $0x1  }
0x5: {  	s15 =	simm.s32 $0x40;
	s16 =	simm.s32 $0x1C00;
	s17 =	simm.s32 $0xA400  }
0x6: {  	s18 =	simm.s32 $0x2;
	[smem:$0x7FF] =	sst s3;
	s2 =	sand.u32 $0x1, s2  }
0x7: {  	s3 =	sshll.u32 s28, $0x3;
	s5 =	ssub.s32 $0x2, s2;
	s2 =	sshll.u32 s2, $0x2  }
0x8: {  	s19 =	simm.s32 $0x4;
	s20 =	simm.s32 $0xC400;
	s3 =	sor.u32 s2, s3  }
0x9: {  	s21 =	simm.s32 $0x3;
	s6 =	sshrl.u32 s5, $0x1;
	s30 =	sshll.u32 s3, $0x4  }
0xa: {  	s22 =	simm.s32 $0x0;
	s29 =	ssub.s32 s5, s6;
	s0 =	sadd.s32 s0, s30  }
0xb: {  	_ =	strace $0x8000004A;
	s31 =	smax.u32 s29, $0x1;
	[dreg:$0x3] =	wrdreg s0  }
0xc: {  	s4 =	sadd.s32 $0xF43000, s1;
	s5 =	sadd.s32 $0xC00, s1;
	[dreg:$0x4] =	wrdreg s31  }
.LBB2_1:
0xd: {  	s0 =	simm.s32 $0x0  }
0xe: {  	s1 =	rddreg [dreg:$0x3];
	s2 =	simm.s32 $0x200;
	s6 =	simm.s32 $0x4000  }
0xf: {  	[tilespmem:s0], [sflag:$0x5] =	stream.strided.gather [hbm4b:s1+s2], $0x6400, s6, s2, $0x38;
	[tilespmem:$0xE400] =	vst v63  }
0x10: {  	_ =	swait.ge [sflag:s10], $0x6400  }
0x11: {  	[sflag:s10] =	ssyncset.done $0x0  }
0x12: {  	s23 =	simm.s32 $0x0;
	[sflag:s10] =	ssyncadd.s32 $0xFFFF9C00  }
0x13: {  	[tilespmem:s12], [sflag:$0x1] =	stream.indirect.gather [hbm4b:s4+s11], $0x40, s0, s11, $0xb8;
	[tilespmem:$0xE400] =	vst v63  }
.LBB2_2:
0x14: {  	s0 =	smul.u32 $0x29, s23;
	_ =	sdelay $0x1  }
0x15: {  	s0 =	sshrl.u32 s0, $0xA  }
0x16: {  	s25 =	sand.u32 $0x3F, s0  }
0x17: {  	s0 =	smul.u32 $0x1FFFCE, s25  }
0x18: {  	s24 =	sshllo.u32 s23, $0x1  }
0x19: {  	s0 =	sadd.s32 s24, s0  }
0x1a: {  	s0 =	sshll.u32 s0, $0xB  }
0x1b: {  	s1 =	sshll.u32 s25, $0x7;
	s0 =	sshra.s32 s0, $0x2  }
0x1c: {  	s0 =	sadd.s32 s1, s0  }
0x1d: {  	[tilespmem:s13], [sflag:$0x2] =	stream.indirect.gather [hbm4b:s4+s11], $0x40, s0, s11, $0xb8;
	[tilespmem:$0xE400] =	vst v63  }
0x1e: {  	_ =	swait.ge [sflag:s14], $0x2000  }
0x1f: {  	p0 =	seq.s32 s23, $0x0;
	[sflag:s14] =	ssyncset.done $0x0  }
0x20: {  	s0 =	simm.s32 @!p0 $0x3;
	[sflag:s14] =	ssyncadd.s32 $0xFFFFE000  }
0x21: {  	_ =	swait.ge @!p0 [sflag:s0], $0x2000  }
0x22: {  	[sflag:s0] =	ssyncset.done @!p0 $0x0  }
0x23: {  	s8 =	simm.s32 $0x6440;
	[sflag:s0] =	ssyncadd.s32 @!p0 $0xFFFFE000  }
0x24: {  	v0 =	vld [tilespmem:s8+$0x0];
	_ =	sdelay $0x3  }
0x25: {  	v1 =	vld [tilespmem:s8+$0xFFFFFFC0]  }
0x26: {  	v0 =	vmul.f32 $8.000000000e+00, v0  }
0x27: {  	s26 =	simm.s32 $0xA440;
	s29 =	simm.s32 $0x64C0  }
0x28: {  	[tilespmem:s26+$0x0] =	vst v0;
	v0 =	vld [tilespmem:s29+$0x0]  }
0x29: {  	v2 =	vld [tilespmem:s8+$0x10]  }
0x2a: {  	v1 =	vmul.f32 $8.000000000e+00, v1;
	_ =	sdelay $0x1  }
0x2b: {  	[tilespmem:s26+$0xFFFFFFC0] =	vst v1;
	v1 =	vld [tilespmem:s29+$0xFFFFFFC0]  }
0x2c: {  	v3 =	vld [tilespmem:s8+$0xFFFFFFD0];
	v0 =	vmul.f32 $8.000000000e+00, v0  }
0x2d: {  	s28 =	simm.s32 $0xA4C0;
	s31 =	simm.s32 $0x6540;
	v2 =	vmul.f32 $8.000000000e+00, v2  }
0x2e: {  	[tilespmem:s28+$0x0] =	vst v0;
	v0 =	vld [tilespmem:s31+$0x0]  }
0x2f: {  	[tilespmem:s26+$0x10] =	vst v2;
	v2 =	vld [tilespmem:s29+$0x10]  }
0x30: {  	v1 =	vmul.f32 $8.000000000e+00, v1;
	v4 =	vld [tilespmem:s8+$0x20]  }
0x31: {  	v3 =	vmul.f32 $8.000000000e+00, v3  }
0x32: {  	[tilespmem:s28+$0xFFFFFFC0] =	vst v1;
	v1 =	vld [tilespmem:s31+$0xFFFFFFC0]  }
0x33: {  	[tilespmem:s26+$0xFFFFFFD0] =	vst v3;
	v3 =	vld [tilespmem:s29+$0xFFFFFFD0];
	v0 =	vmul.f32 $8.000000000e+00, v0  }
0x34: {  	s30 =	simm.s32 $0xA540;
	s1 =	simm.s32 $0x65C0;
	v5 =	vld [tilespmem:s8+$0xFFFFFFE0];
	v2 =	vmul.f32 $8.000000000e+00, v2  }
0x35: {  	[tilespmem:s30+$0x0] =	vst v0;
	v0 =	vmul.f32 $8.000000000e+00, v4;
	v4 =	vld [tilespmem:s1+$0x0]  }
0x36: {  	[tilespmem:s28+$0x10] =	vst v2;
	v6 =	vld [tilespmem:s31+$0x10]  }
0x37: {  	v1 =	vmul.f32 $8.000000000e+00, v1;
	[tilespmem:s26+$0x20] =	vst v0;
	v7 =	vld [tilespmem:s29+$0x20]  }
0x38: {  	v2 =	vmul.f32 $8.000000000e+00, v3;
	v0 =	vld [tilespmem:s8+$0x30]  }
0x39: {  	[tilespmem:s30+$0xFFFFFFC0] =	vst v1;
	v1 =	vmul.f32 $8.000000000e+00, v5;
	v3 =	vld [tilespmem:s1+$0xFFFFFFC0]  }
0x3a: {  	[tilespmem:s28+$0xFFFFFFD0] =	vst v2;
	v5 =	vmul.f32 $8.000000000e+00, v4;
	v4 =	vld [tilespmem:s31+$0xFFFFFFD0]  }
0x3b: {  	s9 =	simm.s32 $0xA5C0;
	s2 =	simm.s32 $0x6;
	[tilespmem:s26+$0xFFFFFFE0] =	vst v1;
	v2 =	vld [tilespmem:s29+$0xFFFFFFE0];
	v6 =	vmul.f32 $8.000000000e+00, v6  }
0x3c: {  	s6 =	simm.s32 $0x6640;
	s0 =	sshll.u32 s23, $0x1;
	v1 =	vld [tilespmem:s8+$0xFFFFFFF0];
	s8 =	simm.s32 $0xA5C0;
	[tilespmem:s9+$0x0] =	vst v5;
	v5 =	vmul.f32 $8.000000000e+00, v7  }
.LBB2_3:
0x3d: {  	v7 =	vld [tilespmem:s6+$0x0];
	[tilespmem:s30+$0x10] =	vst v6;
	v0 =	vmul.f32 $8.000000000e+00, v0;
	s7 =	smov.u32 s29;
	s29 =	smov.u32 s31;
	s31 =	smov.u32 s1  }
0x3e: {  	s1 =	smov.u32 s6;
	s2 =	sadd.s32 $0x2, s2;
	v3 =	vmul.f32 $8.000000000e+00, v3;
	v6 =	vld [tilespmem:s31+$0x10];
	[tilespmem:s28+$0x20] =	vst v5  }
0x3f: {  	p1 =	slt.u32 s2, $0x7E;
	v4 =	vmul.f32 $8.000000000e+00, v4;
	v5 =	vld [tilespmem:s29+$0x20];
	[tilespmem:s26+$0x30] =	vst v0  }
.Ltmp0:
0x40: {  	[tilespmem:s9+$0xFFFFFFC0] =	vst v3;
	v2 =	vmul.f32 $8.000000000e+00, v2;
	v0 =	vld [tilespmem:s7+$0x30];
	(pc) =	sbr.rel @p1 .LBB2_3-.Ltmp0, $4  }
0x41: {  	v3 =	vld [tilespmem:s6+$0xFFFFFFC0];
	[tilespmem:s30+$0xFFFFFFD0] =	vst v4;
	v1 =	vmul.f32 $8.000000000e+00, v1  }
0x42: {  	v7 =	vmul.f32 $8.000000000e+00, v7;
	v4 =	vld [tilespmem:s31+$0xFFFFFFD0];
	[tilespmem:s28+$0xFFFFFFE0] =	vst v2  }
0x43: {  	s9 =	sadd.s32 $0x80, s9;
	v6 =	vmul.f32 $8.000000000e+00, v6;
	v2 =	vld [tilespmem:s29+$0xFFFFFFE0];
	[tilespmem:s26+$0xFFFFFFF0] =	vst v1;
	s26 =	smov.u32 s28;
	s28 =	smov.u32 s30  }
0x44: {  	s6 =	sadd.s32 $0x80, s6;
	s30 =	smov.u32 s8;
	s8 =	smov.u32 s9;
	[tilespmem:s9+$0x0] =	vst v7;
	v5 =	vmul.f32 $8.000000000e+00, v5;
	v1 =	vld [tilespmem:s7+$0xFFFFFFF0]  }
0x45: {  	_ = 	snop  }
0x46: {  	v3 =	vmul.f32 $8.000000000e+00, v3;
	_ =	sdelay $0x1  }
0x47: {  	v7 =	vld [tilespmem:s1+$0x10];
	[tilespmem:s9+$0xFFFFFFC0] =	vst v3  }
0x48: {  	v3 =	vld [tilespmem:s1+$0xFFFFFFD0];
	_ =	sdelay $0x2  }
0x49: {  	v4 =	vmul.f32 $8.000000000e+00, v4  }
0x4a: {  	[tilespmem:s30+$0x10] =	vst v6;
	v49 =	vmul.f32 $8.000000000e+00, v7  }
0x4b: {  	v50 =	vld [tilespmem:s31+$0x20];
	[tilespmem:s30+$0xFFFFFFD0] =	vst v4;
	v3 =	vmul.f32 $8.000000000e+00, v3  }
0x4c: {  	v4 =	vld [tilespmem:s31+$0xFFFFFFE0];
	[tilespmem:s8+$0x10] =	vst v49  }
0x4d: {  	v6 =	vld [tilespmem:s1+$0x20];
	[tilespmem:s8+$0xFFFFFFD0] =	vst v3  }
0x4e: {  	v3 =	vld [tilespmem:s1+$0xFFFFFFE0]  }
0x4f: {  	v2 =	vmul.f32 $8.000000000e+00, v2  }
0x50: {  	[tilespmem:s28+$0x20] =	vst v5;
	v51 =	vmul.f32 $8.000000000e+00, v50  }
0x51: {  	v52 =	vld [tilespmem:s29+$0x30];
	[tilespmem:s28+$0xFFFFFFE0] =	vst v2;
	v4 =	vmul.f32 $8.000000000e+00, v4  }
0x52: {  	v53 =	vld [tilespmem:s29+$0xFFFFFFF0];
	[tilespmem:s30+$0x20] =	vst v51;
	v6 =	vmul.f32 $8.000000000e+00, v6  }
0x53: {  	v54 =	vld [tilespmem:s31+$0x30];
	[tilespmem:s30+$0xFFFFFFE0] =	vst v4;
	v3 =	vmul.f32 $8.000000000e+00, v3  }
0x54: {  	v0 =	vmul.f32 $8.000000000e+00, v0;
	v55 =	vld [tilespmem:s31+$0xFFFFFFF0];
	[tilespmem:s8+$0x20] =	vst v6  }
0x55: {  	v1 =	vmul.f32 $8.000000000e+00, v1;
	v56 =	vld [tilespmem:s1+$0x30];
	[tilespmem:s8+$0xFFFFFFE0] =	vst v3  }
0x56: {  	[tilespmem:s26+$0x30] =	vst v0;
	v57 =	vmul.f32 $8.000000000e+00, v52;
	v58 =	vld [tilespmem:s1+$0xFFFFFFF0]  }
0x57: {  	[tilespmem:s26+$0xFFFFFFF0] =	vst v1;
	s26 =	smul.u32 $0xFFFFFFCE, s25;
	v59 =	vmul.f32 $8.000000000e+00, v53  }
0x58: {  	s29 =	sadd.s32 s25, s3;
	[tilespmem:s28+$0x30] =	vst v57;
	v60 =	vmul.f32 $8.000000000e+00, v54  }
0x59: {  	p1 =	sne.s32 s23, $0x63;
	s25 =	smul.u32 $0xE0000, s29;
	[tilespmem:s28+$0xFFFFFFF0] =	vst v59;
	s31 =	sadd.s32 s0, s26;
	v61 =	vmul.f32 $8.000000000e+00, v55  }
.Ltmp1:
0x5a: {  	[tilespmem:s30+$0x30] =	vst v60;
	s1 =	sshll.u32 s31, $0x7;
	v62 =	vmul.f32 $8.000000000e+00, v56;
	(pc) =	sbr.rel @p1 .LBB2_6-.Ltmp1, $4  }
0x5b: {  	[tilespmem:s30+$0xFFFFFFF0] =	vst v61;
	s1 =	sadd.s32 s25, s1;
	v63 =	vmul.f32 $8.000000000e+00, v58  }
0x5c: {  	s1 =	sshrl.u32 s1, $0x3;
	[tilespmem:s8+$0x30] =	vst v62  }
0x5d: {  	s1 =	sadd.s32 s5, s1;
	[tilespmem:s8+$0xFFFFFFF0] =	vst v63  }
0x5e: {  	[hbm4b:s1+s15] =	stream.strided.scatter [tilespmem:s17], [sflag:$0x3], $0x2000, s16, s15, $0x38;
	[tilespmem:$0xE400] =	vst v63  }
.Ltmp2:
0x5f: {  	(pc) =	sbr.rel .LBB2_7-.Ltmp2, $4  }
0x60: {  	_ = 	snop  }
0x61: {  	_ =	swait.ge [sflag:s18], $0x2000  }
0x62: {  	[sflag:s18] =	ssyncset.done $0x0  }
0x63: {  	[sflag:s18] =	ssyncadd.s32 $0xFFFFE000  }
.LBB2_6:
0x64: {  	s0 =	sadd.s32 $0x2, s0  }
0x65: {  	s1 =	smulhi.u32 $0x51EB851F, s0;
	_ =	sdelay $0x1  }
0x66: {  	s2 =	sshrl.u32 s1, $0x4  }
0x67: {  	s2 =	smul.u32 $0x1FFFCE, s2;
	_ =	sdelay $0x1  }
0x68: {  	s0 =	sadd.s32 s0, s2  }
0x69: {  	s1 =	sshll.u32 s1, $0x3;
	s0 =	sshll.u32 s0, $0xB  }
0x6a: {  	s1 =	sand.u32 $0x3FFFFF80, s1;
	s0 =	sshra.s32 s0, $0x2  }
.Ltmp3:
0x6b: {  	s0 =	sadd.s32 s1, s0;
	(pc) =	sbr.rel @p0 .LBB2_8-.Ltmp3, $4  }
0x6c: {  	[tilespmem:s12], [sflag:$0x1] =	stream.indirect.gather [hbm4b:s4+s11], $0x40, s0, s11, $0xb8;
	[tilespmem:$0xE400] =	vst v63  }
0x6d: {  	_ =	swait.ge [sflag:s18], $0x2000  }
0x6e: {  	[sflag:s18] =	ssyncset.done $0x0  }
0x6f: {  	[sflag:s18] =	ssyncadd.s32 $0xFFFFE000  }
.LBB2_7:
0x70: {  	_ =	swait.ge [sflag:s19], $0x2000  }
0x71: {  	[sflag:s19] =	ssyncset.done $0x0  }
0x72: {  	[sflag:s19] =	ssyncadd.s32 $0xFFFFE000  }
.LBB2_8:
0x73: {  	s7 =	simm.s32 $0x8440  }
0x74: {  	v0 =	vld [tilespmem:s7+$0x0];
	_ =	sdelay $0x3  }
0x75: {  	v1 =	vld [tilespmem:s7+$0xFFFFFFC0]  }
0x76: {  	v0 =	vmul.f32 $8.000000000e+00, v0  }
0x77: {  	s28 =	simm.s32 $0xC440;
	s30 =	simm.s32 $0x84C0  }
0x78: {  	[tilespmem:s28+$0x0] =	vst v0;
	v0 =	vld [tilespmem:s30+$0x0]  }
0x79: {  	v2 =	vld [tilespmem:s7+$0x10]  }
0x7a: {  	v1 =	vmul.f32 $8.000000000e+00, v1;
	_ =	sdelay $0x1  }
0x7b: {  	[tilespmem:s28+$0xFFFFFFC0] =	vst v1;
	v1 =	vld [tilespmem:s30+$0xFFFFFFC0]  }
0x7c: {  	v3 =	vld [tilespmem:s7+$0xFFFFFFD0];
	v0 =	vmul.f32 $8.000000000e+00, v0  }
0x7d: {  	s29 =	simm.s32 $0xC4C0;
	s0 =	simm.s32 $0x8540;
	v2 =	vmul.f32 $8.000000000e+00, v2  }
0x7e: {  	[tilespmem:s29+$0x0] =	vst v0;
	v0 =	vld [tilespmem:s0+$0x0]  }
0x7f: {  	[tilespmem:s28+$0x10] =	vst v2;
	v2 =	vld [tilespmem:s30+$0x10]  }
0x80: {  	v1 =	vmul.f32 $8.000000000e+00, v1;
	v4 =	vld [tilespmem:s7+$0x20]  }
0x81: {  	v3 =	vmul.f32 $8.000000000e+00, v3  }
0x82: {  	[tilespmem:s29+$0xFFFFFFC0] =	vst v1;
	v1 =	vld [tilespmem:s0+$0xFFFFFFC0]  }
0x83: {  	[tilespmem:s28+$0xFFFFFFD0] =	vst v3;
	v3 =	vld [tilespmem:s30+$0xFFFFFFD0];
	v0 =	vmul.f32 $8.000000000e+00, v0  }
0x84: {  	s31 =	simm.s32 $0xC540;
	s1 =	simm.s32 $0x85C0;
	v5 =	vld [tilespmem:s7+$0xFFFFFFE0];
	v2 =	vmul.f32 $8.000000000e+00, v2  }
0x85: {  	[tilespmem:s31+$0x0] =	vst v0;
	v0 =	vmul.f32 $8.000000000e+00, v4;
	v4 =	vld [tilespmem:s1+$0x0]  }
0x86: {  	[tilespmem:s29+$0x10] =	vst v2;
	v6 =	vld [tilespmem:s0+$0x10]  }
0x87: {  	v1 =	vmul.f32 $8.000000000e+00, v1;
	[tilespmem:s28+$0x20] =	vst v0;
	v7 =	vld [tilespmem:s30+$0x20]  }
0x88: {  	v2 =	vmul.f32 $8.000000000e+00, v3;
	v0 =	vld [tilespmem:s7+$0x30]  }
0x89: {  	[tilespmem:s31+$0xFFFFFFC0] =	vst v1;
	v1 =	vmul.f32 $8.000000000e+00, v5;
	v3 =	vld [tilespmem:s1+$0xFFFFFFC0]  }
0x8a: {  	[tilespmem:s29+$0xFFFFFFD0] =	vst v2;
	v5 =	vmul.f32 $8.000000000e+00, v4;
	v4 =	vld [tilespmem:s0+$0xFFFFFFD0]  }
0x8b: {  	s9 =	simm.s32 $0xC5C0;
	[tilespmem:s28+$0xFFFFFFE0] =	vst v1;
	v2 =	vld [tilespmem:s30+$0xFFFFFFE0];
	v6 =	vmul.f32 $8.000000000e+00, v6  }
0x8c: {  	s2 =	simm.s32 $0x6;
	s6 =	simm.s32 $0x8640;
	s8 =	simm.s32 $0xC5C0;
	v1 =	vld [tilespmem:s7+$0xFFFFFFF0];
	[tilespmem:s9+$0x0] =	vst v5;
	v5 =	vmul.f32 $8.000000000e+00, v7  }
.LBB2_9:
0x8d: {  	v7 =	vld [tilespmem:s6+$0x0];
	[tilespmem:s31+$0x10] =	vst v6;
	v0 =	vmul.f32 $8.000000000e+00, v0;
	s7 =	smov.u32 s30;
	s30 =	smov.u32 s0;
	s0 =	smov.u32 s1  }
0x8e: {  	s1 =	smov.u32 s6;
	s2 =	sadd.s32 $0x2, s2;
	v3 =	vmul.f32 $8.000000000e+00, v3;
	v6 =	vld [tilespmem:s0+$0x10];
	[tilespmem:s29+$0x20] =	vst v5  }
0x8f: {  	p0 =	slt.u32 s2, $0x7E;
	v4 =	vmul.f32 $8.000000000e+00, v4;
	v5 =	vld [tilespmem:s30+$0x20];
	[tilespmem:s28+$0x30] =	vst v0  }
.Ltmp4:
0x90: {  	[tilespmem:s9+$0xFFFFFFC0] =	vst v3;
	v2 =	vmul.f32 $8.000000000e+00, v2;
	v0 =	vld [tilespmem:s7+$0x30];
	(pc) =	sbr.rel @p0 .LBB2_9-.Ltmp4, $4  }
0x91: {  	v3 =	vld [tilespmem:s6+$0xFFFFFFC0];
	[tilespmem:s31+$0xFFFFFFD0] =	vst v4;
	v1 =	vmul.f32 $8.000000000e+00, v1  }
0x92: {  	v7 =	vmul.f32 $8.000000000e+00, v7;
	v4 =	vld [tilespmem:s0+$0xFFFFFFD0];
	[tilespmem:s29+$0xFFFFFFE0] =	vst v2  }
0x93: {  	s9 =	sadd.s32 $0x80, s9;
	v6 =	vmul.f32 $8.000000000e+00, v6;
	v2 =	vld [tilespmem:s30+$0xFFFFFFE0];
	[tilespmem:s28+$0xFFFFFFF0] =	vst v1;
	s28 =	smov.u32 s29;
	s29 =	smov.u32 s31  }
0x94: {  	s6 =	sadd.s32 $0x80, s6;
	s31 =	smov.u32 s8;
	s8 =	smov.u32 s9;
	[tilespmem:s9+$0x0] =	vst v7;
	v5 =	vmul.f32 $8.000000000e+00, v5;
	v1 =	vld [tilespmem:s7+$0xFFFFFFF0]  }
0x95: {  	_ = 	snop  }
0x96: {  	v3 =	vmul.f32 $8.000000000e+00, v3;
	_ =	sdelay $0x1  }
0x97: {  	v7 =	vld [tilespmem:s1+$0x10];
	[tilespmem:s9+$0xFFFFFFC0] =	vst v3  }
0x98: {  	v3 =	vld [tilespmem:s1+$0xFFFFFFD0];
	_ =	sdelay $0x2  }
0x99: {  	v4 =	vmul.f32 $8.000000000e+00, v4  }
0x9a: {  	[tilespmem:s31+$0x10] =	vst v6;
	v49 =	vmul.f32 $8.000000000e+00, v7  }
0x9b: {  	v50 =	vld [tilespmem:s0+$0x20];
	[tilespmem:s31+$0xFFFFFFD0] =	vst v4;
	v3 =	vmul.f32 $8.000000000e+00, v3  }
0x9c: {  	v4 =	vld [tilespmem:s0+$0xFFFFFFE0];
	[tilespmem:s8+$0x10] =	vst v49  }
0x9d: {  	v6 =	vld [tilespmem:s1+$0x20];
	[tilespmem:s8+$0xFFFFFFD0] =	vst v3  }
0x9e: {  	v3 =	vld [tilespmem:s1+$0xFFFFFFE0]  }
0x9f: {  	v2 =	vmul.f32 $8.000000000e+00, v2  }
0xa0: {  	[tilespmem:s29+$0x20] =	vst v5;
	v51 =	vmul.f32 $8.000000000e+00, v50  }
0xa1: {  	v52 =	vld [tilespmem:s30+$0x30];
	[tilespmem:s29+$0xFFFFFFE0] =	vst v2;
	v4 =	vmul.f32 $8.000000000e+00, v4  }
0xa2: {  	v53 =	vld [tilespmem:s30+$0xFFFFFFF0];
	[tilespmem:s31+$0x20] =	vst v51;
	v6 =	vmul.f32 $8.000000000e+00, v6  }
0xa3: {  	v54 =	vld [tilespmem:s0+$0x30];
	[tilespmem:s31+$0xFFFFFFE0] =	vst v4;
	v3 =	vmul.f32 $8.000000000e+00, v3  }
0xa4: {  	v0 =	vmul.f32 $8.000000000e+00, v0;
	v55 =	vld [tilespmem:s0+$0xFFFFFFF0];
	[tilespmem:s8+$0x20] =	vst v6  }
0xa5: {  	v1 =	vmul.f32 $8.000000000e+00, v1;
	v56 =	vld [tilespmem:s1+$0x30];
	[tilespmem:s8+$0xFFFFFFE0] =	vst v3  }
0xa6: {  	[tilespmem:s28+$0x30] =	vst v0;
	v57 =	vmul.f32 $8.000000000e+00, v52;
	v58 =	vld [tilespmem:s1+$0xFFFFFFF0]  }
0xa7: {  	[tilespmem:s28+$0xFFFFFFF0] =	vst v1;
	v59 =	vmul.f32 $8.000000000e+00, v53  }
0xa8: {  	s23 =	sadd.s32 $0x1, s23;
	[tilespmem:s29+$0x30] =	vst v57;
	v60 =	vmul.f32 $8.000000000e+00, v54  }
0xa9: {  	p0 =	sne.s32 s23, $0x64;
	s30 =	sadd.s32 s24, s26;
	[tilespmem:s29+$0xFFFFFFF0] =	vst v59;
	v61 =	vmul.f32 $8.000000000e+00, v55  }
.Ltmp5:
0xaa: {  	s0 =	sshll.u32 s30, $0x7;
	[tilespmem:s31+$0x30] =	vst v60;
	v62 =	vmul.f32 $8.000000000e+00, v56;
	(pc) =	sbr.rel @p0 .LBB2_2-.Ltmp5, $4  }
0xab: {  	s0 =	sadd.s32 s25, s0;
	[tilespmem:s31+$0xFFFFFFF0] =	vst v61;
	v63 =	vmul.f32 $8.000000000e+00, v58  }
0xac: {  	s0 =	sshrl.u32 s0, $0x3;
	[tilespmem:s8+$0x30] =	vst v62  }
0xad: {  	s0 =	sadd.s32 s5, s0;
	[tilespmem:s8+$0xFFFFFFF0] =	vst v63  }
0xae: {  	[hbm4b:s0+s15] =	stream.strided.scatter [tilespmem:s20], [sflag:$0x4], $0x2000, s16, s15, $0x38;
	[tilespmem:$0xE400] =	vst v63  }
0xaf: {  	_ =	swait.ge [sflag:s21], $0x2000  }
0xb0: {  	[sflag:s21] =	ssyncset.done $0x0  }
0xb1: {  	[sflag:s21] =	ssyncadd.s32 $0xFFFFE000  }
0xb2: {  	_ =	swait.ge [sflag:s19], $0x2000  }
0xb3: {  	s22 =	sadd.s32 $0x1, s22;
	s0 =	rddreg [dreg:$0x4]  }
0xb4: {  	p0 =	sne.s32 s22, s0  }
.Ltmp6:
0xb5: {  	_ = 	snop;
	(pc) =	sbr.rel @p0 .LBB2_1-.Ltmp6, $3  }
0xb6: {  	_ =	sdelay $0x1  }
0xb7: {  	[sflag:s19] =	ssyncset.done $0x0  }
0xb8: {  	[sflag:s19] =	ssyncadd.s32 $0xFFFFE000  }
0xb9: {  	_ =	sfence.sel $0x180000  }
0xba: {  	[bflag:$0x0] =	sbarrier.arrive $0xFFFF  }
0xbb: {  	_ =	strace $0x9000004A  }
0xbc: {  	s0 =	stileid.u32;
	[bflag:$0x2] =	sbarrier.arrive $0xFFFF  }
0xbd: {  	p0 =	sne.s32 s0, $0x0;
	s0 =	rddreg [dreg:$0x2]  }
0xbe: {  	s0 =	sadd.s32 @!p0 $0x100000, s0  }
0xbf: {  	[sflag:s0] =	ssyncadd.tile.s32 @!p0 $0x1;
	_ =	shalt  }
.Lfunc_end2:
_tile_overlayer_lowered:
.L_overlay_start_2:
0xc0: {  	(tag) =	ssettag $0x2  }
0xc1: {  	s0 =	rddreg [dreg:$0x0];
	s2 =	stileid.u32  }
0xc2: {  	s1 =	rddreg [dreg:$0x1];
	p0 =	sne.s32 s2, $0x0  }
0xc3: {  	s3 =	rddreg [dreg:$0x2];
	[bflag:$0x3] =	sbarrier.arrive $0xFFFF;
	s2 =	simm.s32 @!p0 $0x1C05  }
0xc4: {  	[timem:s3], [sflag:s2] =	dma.local @!p0 [hbm:s0], s1  }
0xc5: {  	s0 =	simm.s32 @!p0 $0x5  }
0xc6: {  	_ =	swait.ge @!p0 [sflag:s0], s1  }
0xc7: {  	s1 =	ssub.s32 @!p0 $0x0, s1;
	[sflag:s0] =	ssyncset.done @!p0 $0x0  }
0xc8: {  	[sflag:s0] =	ssyncadd.s32 @!p0 s1  }
0xc9: {  	[bflag:$0x3] =	sbarrier.arrive $0xFFFF  }
0xca: {  	_ =	shalt  }

// kernel: sparse-core-data-format-call.cloned.1.call-start
scs
called_computation_lowered:
.L_overlay_start_0:
0x0: {  	s2 =	sld [smem:$0x3FD9]  }
0x1: {  	s3 =	sld [smem:$0x3FFE];
	_ =	sdelay $0x1  }
0x2: {  	s1 =	srdreg.scid  }
0x3: {  	s0 =	sand.u32 $0x1, s1  }
0x4: {  	s18 =	sshll.u32 s0, $0xA;
	s2 =	sadd.s32 s3, s2  }
0x5: {  	s2 =	sadd.s32 s2, s18  }
0x6: {  	[smem:$0x3FC6] =	sst s2  }
0x7: {  	_ = 	snop  }
0x8: {  	s2 =	sld [smem:$0x3FD0];
	(tm) =	ssettm $0x1  }
0x9: {  	s19 =	sld [smem:$0x3FFB];
	_ =	sdelay $0x3  }
0xa: {  	_ =	strace s19  }
0xb: {  	s3 =	sld [smem:$0x3FFC];
	_ =	sdelay $0x3  }
0xc: {  	_ =	strace s3  }
0xd: {  	s3 =	sld [smem:$0x3FFD];
	_ =	sdelay $0x3  }
0xe: {  	_ =	strace s3  }
0xf: {  	_ =	strace $0x8FFFFFFF  }
0x10: {  	s20 =	sld [smem:$0x3FDB];
	_ =	sdelay $0x1  }
0x11: {  	s4 =	simm.s32 $_scs_section_size  }
0x12: {  	s5 =	simm.s32 $_size__tile_overlayer_lowered;
	s6 =	simm.s32 $_tile_overlayer_lowered  }
0x13: {  	s23 =	simm.s32 $0x1BFF;
	s22 =	sshll.u32 s6, $0x1;
	s3 =	sadd.s32 s4, s20  }
0x14: {  	s7 =	simm.s32 $0x0;
	s21 =	sshll.u32 s5, $0x1;
	s5 =	sadd.s32 s22, s3  }
0x15: {  	[timem:s7], [sflag:s23] =	dma.local [hbm:s5], s21  }
0x16: {  	_ =	swait.ge [sflag:s23], s21  }
0x17: {  	s4 =	ssub.s32 $0x0, s21;
	[sflag:s23] =	ssyncset.done $0x0  }
0x18: {  	[sflag:s23] =	ssyncadd.s32 s4;
	_ =	sdelay $0x1  }
0x19: {  	s24 =	simm.s32 $0x1B8B  }
0x1a: {  	_ =	swait.ge [sflag:s24], $0x1  }
0x1b: {  	[sflag:s24] =	ssyncset.done $0x0  }
0x1c: {  	s26 =	simm.s32 $0x1B8E;
	s25 =	sld [smem:$0x3FFE];
	[sflag:s24] =	ssyncadd.s32 $0xFFFFFFFF  }
0x1d: {  	s27 =	simm.s32 $execute0_lowered;
	[smem:$0x3FD2] =	sst s26  }
0x1e: {  	s5 =	sshll.u32 s27, $0x1;
	_ =	strace $0x8000004C;
	[dreg:$0x1] =	wrdreg $0xFFFFFFFF  }
0x1f: {  	s28 =	simm.s32 $_size_execute0_lowered;
	s3 =	sadd.s32 s3, s5;
	[dreg:$0x0] =	wrdreg $0x0  }
0x20: {  	s5 =	sshll.u32 s28, $0x1;
	[dreg:$0x2] =	wrdreg s3  }
0x21: {  	[dreg:$0x3] =	wrdreg s5  }
0x22: {  	[dreg:$0x4] =	wrdreg $0xC0  }
0x23: {  	_ =	task [dreg:s7], $0x5FFFF  }
0x24: {  	[dreg:$0x1] =	wrdreg $0xFFFFFFFF  }
0x25: {  	[dreg:$0x0] =	wrdreg $0x60  }
0x26: {  	[dreg:$0x2] =	wrdreg s25  }
0x27: {  	[dreg:$0x3] =	wrdreg s2  }
0x28: {  	[dreg:$0x4] =	wrdreg $0x9  }
0x29: {  	_ =	task.clear_ibuf [dreg:s7], $0x5FFFF;
	_ =	strace $0x9000004C  }
0x2a: {  	s29 =	simm.s32 $0x9;
	_ =	strace $0x8000004E  }
0x2b: {  	_ =	swait.ge [sflag:s29], $0x1  }
0x2c: {  	[sflag:s29] =	ssyncadd.s32 $0xFFFFFFFF  }
0x2d: {  	_ =	strace $0x9000004E  }
0x2e: {  	_ =	sfence  }
0x2f: {  	s30 =	sld [smem:$0x0];
	_ =	sdelay $0x2  }
0x30: {  	s31 =	sshll.u32 s1, $0xD;
	s1 =	sshrl.u32 s1, $0x2  }
0x31: {  	s3 =	sand.u32 $0x4000, s31;
	s1 =	sadd.s32 s1, s30  }
0x32: {  	s0 =	sor.u32 s3, s0;
	s1 =	sshll.u32 s1, $0x11  }
0x33: {  	s0 =	sor.u32 s1, s0  }
0x34: {  	s0 =	sadd.s32 $0x8F2B, s0  }
0x35: {  	[sflag:s0] =	ssyncadd.remote.s32 $0x1  }
0x36: {  	_ =	sfence.sel $0xFFFF  }
0x37: {  	[dreg:$0x0] =	wrdreg $0xFFFFFFFF;
	(pc) =	sbr.abs _section_cstart, $3  }
0x38: {  	[dreg:$0x1] =	wrdreg $0xFFFFFFFF  }
0x39: {  	_ =	task.clear_ibuf [dreg:s7], $0x2FFFF;
	_ =	strace $0x9FFFFFFF  }
0x3a: {  	(tm) =	ssettm $0x7FFFFFFF  }
0x3b: {  	_ =	shalt  }
tec
execute0_lowered:
.L_overlay_start_1:
0x0: {  	(tag) =	ssettag $0x1  }
0x1: {  	s0 =	srdreg.scid  }
0x2: {  	s1 =	sshll.u32 s0, $0x4  }
0x3: {  	s0 =	stileid.u32;
	s1 =	sand.u32 $0x10, s1  }
0x4: {  	s1 =	sor.u32 s0, s1  }
0x5: {  	s6 =	rddreg [dreg:$0x0];
	s4 =	simm.s32 $0x1;
	s2 =	sshll.u32 s1, $0x7  }
0x6: {  	s7 =	simm.s32 $0x2;
	s12 =	simm.s32 $0x0;
	s1 =	ssub.s32 $0x4000, s2  }
0x7: {  	s8 =	simm.s32 $0x20000;
	s13 =	simm.s32 $0x0;
	s3 =	sand.u32 $0xF80, s1  }
0x8: {  	s9 =	simm.s32 $0x0;
	s5 =	sshrl.u32 s1, $0xC;
	p0 =	sne.s32 s3, $0x0  }
.Ltmp0:
0x9: {  	s1 =	rddreg [dreg:$0x2];
	s4 =	simm.s32 @!p0 $0x0;
	(pc) =	sbr.rel .LBB1_1-.Ltmp0, $4  }
0xa: {  	s11 =	simm.s32 $0x0;
	s3 =	rddreg [dreg:$0x1];
	s5 =	sadd.s32 s4, s5  }
0xb: {  	_ =	strace $0x8000004D;
	s4 =	simm.s32 $0x1;
	s5 =	smul.u32 $0x32, s5  }
0xc: {  	s6 =	sadd.s32 $0xC00, s6;
	s10 =	smov.u32 s2;
	[sflag:s4] =	ssyncpa.u1 $0x0  }
0xd: {  	p0 =	por $0x0, $0x0;
	[sflag:s7] =	ssyncpa.u1 $0x0;
	s7 =	sor.u32 $0x1, s5  }
.LBB1_4:
0xe: {  	s16 =	sshll.u32 s13, $0x3;
	s17 =	sand.u32 $0x78, s13  }
0xf: {  	s30 =	sand.u32 $0x1F800, s13;
	s12 =	sshll.u32 s12, $0x11;
	s16 =	sand.u32 $0x3C00, s16  }
0x10: {  	[tilespmem:s15+$0x810 ss:$0x81] =	vst.msk $0xffff, v2;
	s31 =	sand.u32 $0x7, s13;
	s16 =	sor.u32 s17, s16;
	s17 =	sadd.s32 s3, s30  }
0x11: {  	[tilespmem:s15+$0x1020 ss:$0x81] =	vst.msk $0xffff, v0;
	s13 =	sshll.u32 s31, $0x12;
	s12 =	sadd.s32 s12, s17;
	s16 =	sshrl.u32 s16, $0x3  }
0x12: {  	[tilespmem:s15+$0x0 ss:$0x81] =	vst.msk $0xffff, v1;
	s13 =	sor.u32 $0x400, s13;
	s12 =	sadd.s32 s16, s12  }
0x13: {  	[hbm4b:s12+s13] =	stream.strided.scatter [tilespmem:s14], [sflag:$0x2], $0x2000, s8, s13, $0x20;
	[tilespmem:$0x8080] =	vst v63  }
.LBB1_5:
0x14: {  	s14 =	sadd.s32 $0x1, s9  }
0x15: {  	s12 =	sadd.s32 $0x1000, s10;
	s16 =	smov.u32 s10;
	p2 =	sgt.s32 s14, $0x31  }
0x16: {  	s16 =	smov.u32 @p2 s12  }
0x17: {  	s14 =	simm.s32 @p2 $0x0;
	p2 =	sgt.s32 s16, $0x3FFF  }
0x18: {  	s16 =	smov.u32 @p2 s2;
	p2 =	sne.s32 s11, s7  }
.Ltmp1:
0x19: {  	p1 =	slt.u32 s11, $0x2;
	(pc) =	sbr.rel @!p2 .LBB1_6-.Ltmp1, $4  }
0x1a: {  	s15 =	simm.s32 @!p1 $0x2  }
0x1b: {  	s13 =	smov.u32 s10;
	p0 =	por !p0, !p0;
	_ =	swait.ge @!p1 [sflag:s15], $0x2000  }
0x1c: {  	s12 =	smov.u32 s9;
	[sflag:s15] =	ssyncset.done @!p1 $0x0;
	s9 =	smov.u32 s14  }
0x1d: {  	s11 =	sadd.s32 $0x1, s11;
	[sflag:s15] =	ssyncadd.s32 @!p1 $0xFFFFE000;
	s10 =	smov.u32 s16  }
.LBB1_1:
0x1e: {  	p1 =	sge.u32 s11, s5  }
0x1f: {  	s14 =	sand.u32 @!p1 $0x1FFFFFF, s9  }
0x20: {  	s15 =	smulhi.u32 @!p1 $0x4924925, s14;
	_ =	sdelay $0x1  }
0x21: {  	s15 =	smul.u32 @!p1 $0x38, s15  }
0x22: {  	s16 =	sxor.u32 @!p1 $0xFFFFFFFF, s11;
	s17 =	smul.u32 @!p1 $0x380, s10  }
0x23: {  	s31 =	sadd.s32 $0xFFFFFFFF, s11;
	s16 =	sshll.u32 @!p1 s16, $0xD;
	s14 =	ssub.s32 @!p1 s14, s15  }
0x24: {  	s15 =	sand.u32 @!p1 $0x2000, s16;
	s16 =	sadd.s32 @!p1 s6, s17;
	s14 =	sshll.u32 @!p1 s14, $0x4  }
0x25: {  	s17 =	simm.s32 @!p1 $0x1C00;
	s14 =	sadd.s32 @!p1 s14, s16;
	s16 =	simm.s32 @!p1 $0x40  }
0x26: {  	[tilespmem:s15], [sflag:$0x1] =	stream.strided.gather @!p1 [hbm4b:s14+s16], $0x2000, s17, s16, $0x38;
	[tilespmem:$0x8080] =	vst v63  }
0x27: {  	p1 =	sge.u32 s31, s5  }
.Ltmp2:
0x28: {  	_ = 	snop;
	(pc) =	sbr.rel @p1 .LBB1_5-.Ltmp2, $1  }
0x29: {  	_ =	sdelay $0x3  }
0x2a: {  	s14 =	simm.s32 $0x1  }
0x2b: {  	_ =	swait.ge [sflag:s4], $0x2000;
	s14 =	simm.s32 @!p0 $0x0  }
0x2c: {  	[sflag:s4] =	ssyncset.done $0x0;
	s15 =	sshll.u32 s14, $0xD  }
0x2d: {  	[sflag:s4] =	ssyncadd.s32 $0xFFFFE000;
	s18 =	sor.u32 $0x20, s15  }
0x2e: {  	s14 =	smul.u32 $0x8100, s14;
	v3 =	vld [tilespmem:s18+$0x10]  }
0x2f: {  	s30 =	sand.u32 $0x1, s11;
	v2 =	vld [tilespmem:s18+$0xFFFFFFF0]  }
0x30: {  	s15 =	smul.u32 $0x8100, s30;
	s14 =	sshrl.u32 s14, $0x2;
	v0 =	vld [tilespmem:s18+$0x0]  }
0x31: {  	v1 =	vld [tilespmem:s18+$0xFFFFFFE0];
	s16 =	sor.u32 $0x4000, s14  }
0x32: {  	s31 =	sshrl.u32 s15, $0x2;
	s15 =	sadd.s32 $0x0, s16  }
0x33: {  	s17 =	simm.s32 $0x4;
	s18 =	sadd.s32 $0x40, s18;
	s14 =	sor.u32 $0x4000, s31;
	[tilespmem:s15+$0x1830 ss:$0x81] =	vst.msk $0xffff, v3  }
.LBB1_3:
0x34: {  	v3 =	vld [tilespmem:s18+$0x10];
	p1 =	sne.s32 s17, $0x1FC;
	[tilespmem:s15+$0x810 ss:$0x81] =	vst.msk $0xffff, v2;
	s19 =	smov.u32 s17;
	s17 =	sadd.s32 $0x4, s17  }
.Ltmp3:
0x35: {  	v2 =	vld [tilespmem:s18+$0xFFFFFFF0];
	[tilespmem:s15+$0x1020 ss:$0x81] =	vst.msk $0xffff, v0;
	(pc) =	sbr.rel @p1 .LBB1_3-.Ltmp3, $4  }
0x36: {  	v0 =	vld [tilespmem:s18+$0x0];
	[tilespmem:s15+$0x0 ss:$0x81] =	vst.msk $0xffff, v1  }
0x37: {  	s15 =	sshra.s32 s19, $0x2;
	v1 =	vld [tilespmem:s18+$0xFFFFFFE0]  }
0x38: {  	s15 =	sadd.s32 s15, s16  }
0x39: {  	s18 =	sadd.s32 $0x40, s18;
	[tilespmem:s15+$0x1830 ss:$0x81] =	vst.msk $0xffff, v3  }
.Ltmp4:
0x3a: {  	_ = 	snop;
	(pc) =	sbr.rel .LBB1_4-.Ltmp4, $1  }
0x3b: {  	_ =	sdelay $0x3  }
.LBB1_6:
0x3c: {  	_ =	sfence.sel $0x180000  }
0x3d: {  	s2 =	simm.s32 $0x1;
	[bflag:$0x0] =	sbarrier.arrive $0xFFFF  }
0x3e: {  	s31 =	simm.s32 $0x2;
	[sflag:s2] =	ssyncpa.u1 $0x1  }
0x3f: {  	[sflag:s31] =	ssyncpa.u1 $0x1  }
0x40: {  	p0 =	sne.s32 s0, $0x0;
	_ =	strace $0x9000004D  }
0x41: {  	s0 =	sadd.s32 @!p0 $0x100000, s1;
	[bflag:$0x2] =	sbarrier.arrive $0xFFFF  }
0x42: {  	[sflag:s0] =	ssyncadd.tile.s32 @!p0 $0x1;
	_ =	shalt  }
.Lfunc_end1:
_tile_overlayer_lowered:
.L_overlay_start_2:
0x43: {  	(tag) =	ssettag $0x2  }
0x44: {  	s0 =	rddreg [dreg:$0x0];
	s2 =	stileid.u32  }
0x45: {  	s1 =	rddreg [dreg:$0x1];
	p0 =	sne.s32 s2, $0x0  }
0x46: {  	s3 =	rddreg [dreg:$0x2];
	[bflag:$0x3] =	sbarrier.arrive $0xFFFF;
	s2 =	simm.s32 @!p0 $0x1C01  }
0x47: {  	[timem:s3], [sflag:s2] =	dma.local @!p0 [hbm:s0], s1  }
0x48: {  	s0 =	simm.s32 @!p0 $0x1  }
0x49: {  	_ =	swait.ge @!p0 [sflag:s0], s1  }
0x4a: {  	s1 =	ssub.s32 @!p0 $0x0, s1;
	[sflag:s0] =	ssyncset.done @!p0 $0x0  }
0x4b: {  	[sflag:s0] =	ssyncadd.s32 @!p0 s1  }
0x4c: {  	[bflag:$0x3] =	sbarrier.arrive $0xFFFF  }
0x4d: {  	_ =	shalt  }

</sc_bundles>
